<compile_context>
chip_gen: v7x
topology: tpu7x:2x2x1
jax: 0.10.2.dev20260603
libtpu: 0.0.44.dev20260713+nightly
codegen_flags: <defaults>
</compile_context>

<pallas_src>
import functools

import numpy as np

import jax
import jax.numpy as jnp
from jax import lax
from jax.experimental import pallas as pl
from jax.experimental.pallas import tpu as pltpu
from jax.experimental.pallas import tpu_sc as plsc

N_NODES = 10000
N_EDGES = 160000
D = 256

NC = 2
NS = 16
DH = D // NC
PAD_NODES = 10240
RPT = PAD_NODES // NS

CH = 128
NCHUNKS = N_EDGES // CH

_sc_mesh = plsc.VectorSubcoreMesh(core_axis_name="c", subcore_axis_name="s")


@functools.partial(
    pl.kernel,
    out_type=[
        jax.ShapeDtypeStruct((NC, PAD_NODES, DH), jnp.float32),
        jax.ShapeDtypeStruct((NC, PAD_NODES, DH), jnp.float32),
    ],
    mesh=_sc_mesh,
    scratch_types=[
        pltpu.VMEM((CH,), jnp.int32),
        pltpu.VMEM((CH,), jnp.int32),
        pltpu.VMEM((CH, DH), jnp.float32),
        pltpu.SemaphoreType.DMA,
        pltpu.VMEM_SHARED((PAD_NODES, DH), jnp.float32),
    ],
)
def _scatter_sc(dest_hbm, ea2_hbm, eidx_hbm, zeros_hbm, ones_hbm,
                sums_hbm, cnt_hbm, idx_v, eidx_v, ebuf, sem, acc):
    c = lax.axis_index("c")
    s = lax.axis_index("s")

    pltpu.sync_copy(zeros_hbm, ebuf)
    for j in range(RPT // CH):
        pltpu.sync_copy(ebuf, acc.at[pl.ds(s * RPT + j * CH, CH), :])

    plsc.subcore_barrier()

    nck = 78 + jnp.where(s < NCHUNKS - 78 * NS, 1, 0)

    def chunk_body(k, carry):
        e0 = (k * NS + s) * CH
        pltpu.sync_copy(dest_hbm.at[pl.ds(e0, CH)], idx_v)
        pltpu.sync_copy(eidx_hbm.at[c, 0, pl.ds(e0, CH)], eidx_v)
        pltpu.async_copy(ea2_hbm.at[eidx_v], ebuf, sem).wait()
        pltpu.sync_copy(ebuf, acc.at[idx_v], add=True)
        return carry

    lax.fori_loop(0, nck, chunk_body, 0)

    plsc.subcore_barrier()

    for j in range(RPT // CH):
        pltpu.sync_copy(acc.at[pl.ds(s * RPT + j * CH, CH), :], ebuf)
        pltpu.sync_copy(ebuf, sums_hbm.at[c, pl.ds(s * RPT + j * CH, CH), :])
    pltpu.sync_copy(zeros_hbm, ebuf)
    for j in range(RPT // CH):
        pltpu.sync_copy(ebuf, acc.at[pl.ds(s * RPT + j * CH, CH), :])
    pltpu.sync_copy(ones_hbm, ebuf)

    plsc.subcore_barrier()

    nck2 = 39 + jnp.where(s < 625 - 39 * NS, 1, 0)

    def cnt_body(k, carry):
        e0 = (2 * (k * NS + s) + c) * CH
        pltpu.sync_copy(dest_hbm.at[pl.ds(e0, CH)], idx_v)
        pltpu.sync_copy(ebuf, acc.at[idx_v], add=True)
        return carry

    lax.fori_loop(0, nck2, cnt_body, 0)

    plsc.subcore_barrier()

    for j in range(RPT // CH):
        pltpu.sync_copy(acc.at[pl.ds(s * RPT + j * CH, CH), :], ebuf)
        pltpu.sync_copy(ebuf, cnt_hbm.at[c, pl.ds(s * RPT + j * CH, CH), :])


BLK = 2000

_NT = (((1,), (1,)), ((), ()))


def _mlp_tc(x_ref, sums_ref, cnt_ref, w1_ref, w2_ref, w3_ref,
            b1_ref, b2_ref, b3_ref, out_ref):
    cnt = cnt_ref[0, :, 0:1] + cnt_ref[1, :, 0:1]
    inv = 1.0 / jnp.maximum(cnt, 1.0)
    h = lax.dot_general(x_ref[:], w1_ref[:, :D], _NT,
                        preferred_element_type=jnp.float32)
    h = h + lax.dot_general(sums_ref[0] * inv, w1_ref[:, D:D + DH], _NT,
                            preferred_element_type=jnp.float32)
    h = h + lax.dot_general(sums_ref[1] * inv, w1_ref[:, D + DH:], _NT,
                            preferred_element_type=jnp.float32)
    h = h + b1_ref[:]
    h = h * jax.nn.sigmoid(h)
    h = lax.dot_general(h, w2_ref[:], _NT,
                        preferred_element_type=jnp.float32) + b2_ref[:]
    h = h * jax.nn.sigmoid(h)
    out_ref[:] = lax.dot_general(h, w3_ref[:], _NT,
                                 preferred_element_type=jnp.float32) + b3_ref[:]


def _mlp_call(x, sums2, cnt2, W1, W2, W3, b1, b2, b3):
    grid = N_NODES // BLK
    row = lambda i: (i, 0)
    row3 = lambda i: (0, i, 0)
    fixed = lambda i: (0, 0)
    return pl.pallas_call(
        _mlp_tc,
        grid=(grid,),
        in_specs=[
            pl.BlockSpec((BLK, D), row),
            pl.BlockSpec((NC, BLK, DH), row3),
            pl.BlockSpec((NC, BLK, DH), row3),
            pl.BlockSpec((D, 2 * D), fixed),
            pl.BlockSpec((D, D), fixed),
            pl.BlockSpec((D, D), fixed),
            pl.BlockSpec((1, D), fixed),
            pl.BlockSpec((1, D), fixed),
            pl.BlockSpec((1, D), fixed),
        ],
        out_specs=pl.BlockSpec((BLK, D), row),
        out_shape=jax.ShapeDtypeStruct((N_NODES, D), jnp.float32),
    )(x, sums2, cnt2, W1, W2, W3, b1, b2, b3)


_AR = np.arange(N_EDGES, dtype=np.int32)
_EIDX = np.stack([2 * _AR, 2 * _AR + 1]).reshape(NC, 1, N_EDGES)
_ZEROS = np.zeros((CH, DH), np.float32)
_ONES = np.ones((CH, DH), np.float32)


def kernel(x, dest, edge_attr, W1, b1, W2, b2, W3, b3):
    dest = dest.astype(jnp.int32)
    ea2 = edge_attr.reshape(2 * N_EDGES, DH)
    sums2, cnt2 = _scatter_sc(dest, ea2, jnp.asarray(_EIDX),
                              jnp.asarray(_ZEROS), jnp.asarray(_ONES))
    return _mlp_call(x, sums2, cnt2, W1, W2, W3,
                     b1.reshape(1, D), b2.reshape(1, D), b3.reshape(1, D))

# --- scband reference (transcript-rebuilt; emitter-appended) ---
"""Pipeline reference for scband-node-model-24885040513205 (READ-ONLY COPY).

The authoritative reference and input builder live on the scoring server;
editing this copy changes nothing except your own understanding.
"""

import jax, jax.numpy as jnp
import numpy as np

N_NODES = 10000
N_EDGES = 160000
D = 256

def silu(x):
    return x * jax.nn.sigmoid(x)

def setup_inputs(seed: int = 0) -> dict:
    key = jax.random.key(seed)
    ks = jax.random.split(key, 10)
    x = jax.random.normal(ks[0], (N_NODES, D), dtype=jnp.float32)
    dest = jax.random.randint(ks[1], (N_EDGES,), 0, N_NODES, dtype=jnp.int64 if jax.config.jax_enable_x64 else jnp.int32)
    edge_attr = jax.random.normal(ks[2], (N_EDGES, D), dtype=jnp.float32)
    # MLP layers: [2D] + 2*[D] + [D] -> Linear(512,256), Linear(256,256), Linear(256,256)
    s1 = 1.0 / np.sqrt(2 * D)
    s2 = 1.0 / np.sqrt(D)
    W1 = jax.random.uniform(ks[3], (D, 2 * D), dtype=jnp.float32, minval=-s1, maxval=s1)
    b1 = jax.random.uniform(ks[4], (D,), dtype=jnp.float32, minval=-s1, maxval=s1)
    W2 = jax.random.uniform(ks[5], (D, D), dtype=jnp.float32, minval=-s2, maxval=s2)
    b2 = jax.random.uniform(ks[6], (D,), dtype=jnp.float32, minval=-s2, maxval=s2)
    W3 = jax.random.uniform(ks[7], (D, D), dtype=jnp.float32, minval=-s2, maxval=s2)
    b3 = jax.random.uniform(ks[8], (D,), dtype=jnp.float32, minval=-s2, maxval=s2)
    return {"x": x, "dest": dest, "edge_attr": edge_attr,
            "W1": W1, "b1": b1, "W2": W2, "b2": b2, "W3": W3, "b3": b3}

def reference(x, dest, edge_attr, W1, b1, W2, b2, W3, b3):
    n = x.shape[0]
    # scatter_mean(edge_attr, dest, dim=0, dim_size=n)
    sums = jnp.zeros((n, edge_attr.shape[1]), dtype=edge_attr.dtype).at[dest].add(edge_attr)
    counts = jnp.zeros((n,), dtype=edge_attr.dtype).at[dest].add(1.0)
    mean = sums / jnp.clip(counts, 1.0, None)[:, None]
    h = jnp.concatenate([x, mean], axis=1)
    h = silu(h @ W1.T + b1)
    h = silu(h @ W2.T + b2)
    h = h @ W3.T + b3
    return h

if __name__ == "__main__":
    import jax
    _d = setup_inputs()
    print(jax.jit(kernel)(*tuple(_d.values())))

</pallas_src>

<mosaic_0001>
#map = affine_map<(d0, d1) -> (0)>
#map1 = affine_map<(d0, d1) -> (0, 0)>
#map2 = affine_map<(d0, d1) -> (0, 0, 0)>
module attributes {stable_mosaic.version = 14 : i64} {
  func.func @_scatter_sc(%arg0: i32, %arg1: i32, %arg2: memref<160000xi32, #tpu.memory_space<hbm>>, %arg3: memref<320000x128xf32, #tpu.memory_space<hbm>>, %arg4: memref<2x1x160000xi32, #tpu.memory_space<hbm>>, %arg5: memref<128x128xf32, #tpu.memory_space<hbm>>, %arg6: memref<128x128xf32, #tpu.memory_space<hbm>>, %arg7: memref<2x10240x128xf32, #tpu.memory_space<hbm>>, %arg8: memref<2x10240x128xf32, #tpu.memory_space<hbm>>, %arg9: memref<128xi32, #tpu.memory_space<vmem>>, %arg10: memref<128xi32, #tpu.memory_space<vmem>>, %arg11: memref<128x128xf32, #tpu.memory_space<vmem>>, %arg12: memref<!tpu.dma_semaphore, #tpu.memory_space<semaphore_mem>>, %arg13: memref<10240x128xf32, #tpu.memory_space<vmem_shared>>) attributes {dimension_semantics = [#tpu.dimension_semantics<core_parallel>, #tpu.dimension_semantics<subcore_parallel>], iteration_bounds = array<i64: 2, 16>, scalar_prefetch = 0 : i64, scratch_operands = 5 : i64, tpu.core_type = #tpu.core_type<sc_vector_subcore>, window_params = [{transform_indices = #map}, {transform_indices = #map1}, {transform_indices = #map2}, {transform_indices = #map1}, {transform_indices = #map1}, {transform_indices = #map2}, {transform_indices = #map2}]} {
    "tpu.region"() ({
      %run_scoped3A = tpu.sem_alloc : memref<!tpu.dma_semaphore, #tpu.memory_space<semaphore_mem>>
      tpu.enqueue_dma source(%arg5 : memref<128x128xf32, #tpu.memory_space<hbm>>) target(%arg11 : memref<128x128xf32, #tpu.memory_space<vmem>>) target_semaphore(%run_scoped3A : memref<!tpu.dma_semaphore, #tpu.memory_space<semaphore_mem>>)
      tpu.wait_dma2 semaphore(%run_scoped3A : memref<!tpu.dma_semaphore, #tpu.memory_space<semaphore_mem>>) src(%arg5 : memref<128x128xf32, #tpu.memory_space<hbm>>) dst(%arg11 : memref<128x128xf32, #tpu.memory_space<vmem>>)
      tpu.yield
    }) : () -> ()
    %mul3A = arith.constant 640 : i32
    %mul3A_0 = arith.muli %arg1, %mul3A : i32
    %add3A = arith.constant 0 : i32
    %add3A_1 = arith.addi %mul3A_0, %add3A : i32
    "tpu.region"() ({
      %run_scoped3A = tpu.sem_alloc : memref<!tpu.dma_semaphore, #tpu.memory_space<semaphore_mem>>
      %dma_start3A = arith.constant 0 : i32
      %dma_start3A_151 = tpu.memref_slice %arg13[%add3A_1, %dma_start3A] : memref<10240x128xf32, #tpu.memory_space<vmem_shared>> -> memref<128x128xf32, #tpu.memory_space<vmem_shared>>
      %dma_start3A_152 = arith.constant 0 : i32
      %dma_start3A_153 = tpu.memref_slice %arg13[%add3A_1, %dma_start3A_152] : memref<10240x128xf32, #tpu.memory_space<vmem_shared>> -> memref<128x128xf32, #tpu.memory_space<vmem_shared>>
      tpu.enqueue_dma source(%arg11 : memref<128x128xf32, #tpu.memory_space<vmem>>) target(%dma_start3A_153 : memref<128x128xf32, #tpu.memory_space<vmem_shared>>) target_semaphore(%run_scoped3A : memref<!tpu.dma_semaphore, #tpu.memory_space<semaphore_mem>>)
      %dma_wait3A = arith.constant 0 : i32
      %dma_wait3A_154 = tpu.memref_slice %arg13[%add3A_1, %dma_wait3A] : memref<10240x128xf32, #tpu.memory_space<vmem_shared>> -> memref<128x128xf32, #tpu.memory_space<vmem_shared>>
      %dma_wait3A_155 = arith.constant 0 : i32
      %dma_wait3A_156 = tpu.memref_slice %arg13[%add3A_1, %dma_wait3A_155] : memref<10240x128xf32, #tpu.memory_space<vmem_shared>> -> memref<128x128xf32, #tpu.memory_space<vmem_shared>>
      tpu.wait_dma2 semaphore(%run_scoped3A : memref<!tpu.dma_semaphore, #tpu.memory_space<semaphore_mem>>) src(%arg11 : memref<128x128xf32, #tpu.memory_space<vmem>>) dst(%dma_wait3A_156 : memref<128x128xf32, #tpu.memory_space<vmem_shared>>)
      tpu.yield
    }) : () -> ()
    %mul3A_2 = arith.constant 640 : i32
    %mul3A_3 = arith.muli %arg1, %mul3A_2 : i32
    %add3A_4 = arith.constant 128 : i32
    %add3A_5 = arith.addi %mul3A_3, %add3A_4 : i32
    "tpu.region"() ({
      %run_scoped3A = tpu.sem_alloc : memref<!tpu.dma_semaphore, #tpu.memory_space<semaphore_mem>>
      %dma_start3A = arith.constant 0 : i32
      %dma_start3A_151 = tpu.memref_slice %arg13[%add3A_5, %dma_start3A] : memref<10240x128xf32, #tpu.memory_space<vmem_shared>> -> memref<128x128xf32, #tpu.memory_space<vmem_shared>>
      %dma_start3A_152 = arith.constant 0 : i32
      %dma_start3A_153 = tpu.memref_slice %arg13[%add3A_5, %dma_start3A_152] : memref<10240x128xf32, #tpu.memory_space<vmem_shared>> -> memref<128x128xf32, #tpu.memory_space<vmem_shared>>
      tpu.enqueue_dma source(%arg11 : memref<128x128xf32, #tpu.memory_space<vmem>>) target(%dma_start3A_153 : memref<128x128xf32, #tpu.memory_space<vmem_shared>>) target_semaphore(%run_scoped3A : memref<!tpu.dma_semaphore, #tpu.memory_space<semaphore_mem>>)
      %dma_wait3A = arith.constant 0 : i32
      %dma_wait3A_154 = tpu.memref_slice %arg13[%add3A_5, %dma_wait3A] : memref<10240x128xf32, #tpu.memory_space<vmem_shared>> -> memref<128x128xf32, #tpu.memory_space<vmem_shared>>
      %dma_wait3A_155 = arith.constant 0 : i32
      %dma_wait3A_156 = tpu.memref_slice %arg13[%add3A_5, %dma_wait3A_155] : memref<10240x128xf32, #tpu.memory_space<vmem_shared>> -> memref<128x128xf32, #tpu.memory_space<vmem_shared>>
      tpu.wait_dma2 semaphore(%run_scoped3A : memref<!tpu.dma_semaphore, #tpu.memory_space<semaphore_mem>>) src(%arg11 : memref<128x128xf32, #tpu.memory_space<vmem>>) dst(%dma_wait3A_156 : memref<128x128xf32, #tpu.memory_space<vmem_shared>>)
      tpu.yield
    }) : () -> ()
    %mul3A_6 = arith.constant 640 : i32
    %mul3A_7 = arith.muli %arg1, %mul3A_6 : i32
    %add3A_8 = arith.constant 256 : i32
    %add3A_9 = arith.addi %mul3A_7, %add3A_8 : i32
    "tpu.region"() ({
      %run_scoped3A = tpu.sem_alloc : memref<!tpu.dma_semaphore, #tpu.memory_space<semaphore_mem>>
      %dma_start3A = arith.constant 0 : i32
      %dma_start3A_151 = tpu.memref_slice %arg13[%add3A_9, %dma_start3A] : memref<10240x128xf32, #tpu.memory_space<vmem_shared>> -> memref<128x128xf32, #tpu.memory_space<vmem_shared>>
      %dma_start3A_152 = arith.constant 0 : i32
      %dma_start3A_153 = tpu.memref_slice %arg13[%add3A_9, %dma_start3A_152] : memref<10240x128xf32, #tpu.memory_space<vmem_shared>> -> memref<128x128xf32, #tpu.memory_space<vmem_shared>>
      tpu.enqueue_dma source(%arg11 : memref<128x128xf32, #tpu.memory_space<vmem>>) target(%dma_start3A_153 : memref<128x128xf32, #tpu.memory_space<vmem_shared>>) target_semaphore(%run_scoped3A : memref<!tpu.dma_semaphore, #tpu.memory_space<semaphore_mem>>)
      %dma_wait3A = arith.constant 0 : i32
      %dma_wait3A_154 = tpu.memref_slice %arg13[%add3A_9, %dma_wait3A] : memref<10240x128xf32, #tpu.memory_space<vmem_shared>> -> memref<128x128xf32, #tpu.memory_space<vmem_shared>>
      %dma_wait3A_155 = arith.constant 0 : i32
      %dma_wait3A_156 = tpu.memref_slice %arg13[%add3A_9, %dma_wait3A_155] : memref<10240x128xf32, #tpu.memory_space<vmem_shared>> -> memref<128x128xf32, #tpu.memory_space<vmem_shared>>
      tpu.wait_dma2 semaphore(%run_scoped3A : memref<!tpu.dma_semaphore, #tpu.memory_space<semaphore_mem>>) src(%arg11 : memref<128x128xf32, #tpu.memory_space<vmem>>) dst(%dma_wait3A_156 : memref<128x128xf32, #tpu.memory_space<vmem_shared>>)
      tpu.yield
    }) : () -> ()
    %mul3A_10 = arith.constant 640 : i32
    %mul3A_11 = arith.muli %arg1, %mul3A_10 : i32
    %add3A_12 = arith.constant 384 : i32
    %add3A_13 = arith.addi %mul3A_11, %add3A_12 : i32
    "tpu.region"() ({
      %run_scoped3A = tpu.sem_alloc : memref<!tpu.dma_semaphore, #tpu.memory_space<semaphore_mem>>
      %dma_start3A = arith.constant 0 : i32
      %dma_start3A_151 = tpu.memref_slice %arg13[%add3A_13, %dma_start3A] : memref<10240x128xf32, #tpu.memory_space<vmem_shared>> -> memref<128x128xf32, #tpu.memory_space<vmem_shared>>
      %dma_start3A_152 = arith.constant 0 : i32
      %dma_start3A_153 = tpu.memref_slice %arg13[%add3A_13, %dma_start3A_152] : memref<10240x128xf32, #tpu.memory_space<vmem_shared>> -> memref<128x128xf32, #tpu.memory_space<vmem_shared>>
      tpu.enqueue_dma source(%arg11 : memref<128x128xf32, #tpu.memory_space<vmem>>) target(%dma_start3A_153 : memref<128x128xf32, #tpu.memory_space<vmem_shared>>) target_semaphore(%run_scoped3A : memref<!tpu.dma_semaphore, #tpu.memory_space<semaphore_mem>>)
      %dma_wait3A = arith.constant 0 : i32
      %dma_wait3A_154 = tpu.memref_slice %arg13[%add3A_13, %dma_wait3A] : memref<10240x128xf32, #tpu.memory_space<vmem_shared>> -> memref<128x128xf32, #tpu.memory_space<vmem_shared>>
      %dma_wait3A_155 = arith.constant 0 : i32
      %dma_wait3A_156 = tpu.memref_slice %arg13[%add3A_13, %dma_wait3A_155] : memref<10240x128xf32, #tpu.memory_space<vmem_shared>> -> memref<128x128xf32, #tpu.memory_space<vmem_shared>>
      tpu.wait_dma2 semaphore(%run_scoped3A : memref<!tpu.dma_semaphore, #tpu.memory_space<semaphore_mem>>) src(%arg11 : memref<128x128xf32, #tpu.memory_space<vmem>>) dst(%dma_wait3A_156 : memref<128x128xf32, #tpu.memory_space<vmem_shared>>)
      tpu.yield
    }) : () -> ()
    %mul3A_14 = arith.constant 640 : i32
    %mul3A_15 = arith.muli %arg1, %mul3A_14 : i32
    %add3A_16 = arith.constant 512 : i32
    %add3A_17 = arith.addi %mul3A_15, %add3A_16 : i32
    "tpu.region"() ({
      %run_scoped3A = tpu.sem_alloc : memref<!tpu.dma_semaphore, #tpu.memory_space<semaphore_mem>>
      %dma_start3A = arith.constant 0 : i32
      %dma_start3A_151 = tpu.memref_slice %arg13[%add3A_17, %dma_start3A] : memref<10240x128xf32, #tpu.memory_space<vmem_shared>> -> memref<128x128xf32, #tpu.memory_space<vmem_shared>>
      %dma_start3A_152 = arith.constant 0 : i32
      %dma_start3A_153 = tpu.memref_slice %arg13[%add3A_17, %dma_start3A_152] : memref<10240x128xf32, #tpu.memory_space<vmem_shared>> -> memref<128x128xf32, #tpu.memory_space<vmem_shared>>
      tpu.enqueue_dma source(%arg11 : memref<128x128xf32, #tpu.memory_space<vmem>>) target(%dma_start3A_153 : memref<128x128xf32, #tpu.memory_space<vmem_shared>>) target_semaphore(%run_scoped3A : memref<!tpu.dma_semaphore, #tpu.memory_space<semaphore_mem>>)
      %dma_wait3A = arith.constant 0 : i32
      %dma_wait3A_154 = tpu.memref_slice %arg13[%add3A_17, %dma_wait3A] : memref<10240x128xf32, #tpu.memory_space<vmem_shared>> -> memref<128x128xf32, #tpu.memory_space<vmem_shared>>
      %dma_wait3A_155 = arith.constant 0 : i32
      %dma_wait3A_156 = tpu.memref_slice %arg13[%add3A_17, %dma_wait3A_155] : memref<10240x128xf32, #tpu.memory_space<vmem_shared>> -> memref<128x128xf32, #tpu.memory_space<vmem_shared>>
      tpu.wait_dma2 semaphore(%run_scoped3A : memref<!tpu.dma_semaphore, #tpu.memory_space<semaphore_mem>>) src(%arg11 : memref<128x128xf32, #tpu.memory_space<vmem>>) dst(%dma_wait3A_156 : memref<128x128xf32, #tpu.memory_space<vmem_shared>>)
      tpu.yield
    }) : () -> ()
    %barrier3A = arith.constant 0 : index
    tpu.barrier barrier_id(%barrier3A)
    %lt3A = arith.constant 2 : i32
    %lt3A_18 = arith.cmpi slt, %arg1, %lt3A : i32
    %jit3A = arith.constant 1 : i32
    %jit3A_19 = arith.constant 0 : i32
    %select_n3A = arith.select %lt3A_18, %jit3A, %jit3A_19 : i32
    %add3A_20 = arith.constant 78 : i32
    %add3A_21 = arith.addi %add3A_20, %select_n3A : i32
    %while3A = arith.constant 0 : i32
    %while3A_22 = arith.constant 0 : i32
    %while3A_23 = arith.subi %add3A_21, %while3A_22 : i32
    %while3A_24 = arith.addi %while3A_22, %while3A_23 : i32
    %while3A_25 = arith.constant 1 : i32
    %while3A_26 = arith.divsi %while3A_23, %while3A_25 : i32
    %while3A_27 = arith.muli %while3A_26, %while3A_25 : i32
    %while3A_28 = arith.addi %while3A_22, %while3A_27 : i32
    %while3A_29 = arith.constant 1 : i32
    scf.for %while3A_151 = %while3A_22 to %while3A_28 step %while3A_29  : i32 {
      %mul3A_152 = arith.constant 16 : i32
      %mul3A_153 = arith.muli %while3A_151, %mul3A_152 : i32
      %add3A_154 = arith.addi %mul3A_153, %arg1 : i32
      %mul3A_155 = arith.constant 128 : i32
      %mul3A_156 = arith.muli %add3A_154, %mul3A_155 : i32
      "tpu.region"() ({
        %run_scoped3A_161 = tpu.sem_alloc : memref<!tpu.dma_semaphore, #tpu.memory_space<semaphore_mem>>
        %dma_start3A_162 = tpu.memref_slice %arg2[%mul3A_156] : memref<160000xi32, #tpu.memory_space<hbm>> -> memref<128xi32, #tpu.memory_space<hbm>>
        %dma_start3A_163 = tpu.memref_slice %arg2[%mul3A_156] : memref<160000xi32, #tpu.memory_space<hbm>> -> memref<128xi32, #tpu.memory_space<hbm>>
        tpu.enqueue_dma source(%dma_start3A_163 : memref<128xi32, #tpu.memory_space<hbm>>) target(%arg9 : memref<128xi32, #tpu.memory_space<vmem>>) target_semaphore(%run_scoped3A_161 : memref<!tpu.dma_semaphore, #tpu.memory_space<semaphore_mem>>)
        %dma_wait3A_164 = tpu.memref_slice %arg2[%mul3A_156] : memref<160000xi32, #tpu.memory_space<hbm>> -> memref<128xi32, #tpu.memory_space<hbm>>
        %dma_wait3A_165 = tpu.memref_slice %arg2[%mul3A_156] : memref<160000xi32, #tpu.memory_space<hbm>> -> memref<128xi32, #tpu.memory_space<hbm>>
        tpu.wait_dma2 semaphore(%run_scoped3A_161 : memref<!tpu.dma_semaphore, #tpu.memory_space<semaphore_mem>>) src(%dma_wait3A_165 : memref<128xi32, #tpu.memory_space<hbm>>) dst(%arg9 : memref<128xi32, #tpu.memory_space<vmem>>)
        tpu.yield
      }) : () -> ()
      %run_scoped3A = arith.constant 0 : i32
      "tpu.region"() ({
        %run_scoped3A_161 = tpu.sem_alloc : memref<!tpu.dma_semaphore, #tpu.memory_space<semaphore_mem>>
        %dma_start3A_162 = tpu.memref_slice %arg4[%arg0, %run_scoped3A, %mul3A_156] : memref<2x1x160000xi32, #tpu.memory_space<hbm>> -> memref<1x1x128xi32, #tpu.memory_space<hbm>>
        %dma_start3A_163 = tpu.memref_squeeze %dma_start3A_162 : memref<1x1x128xi32, #tpu.memory_space<hbm>> -> memref<128xi32, #tpu.memory_space<hbm>>
        %dma_start3A_164 = tpu.memref_slice %arg4[%arg0, %run_scoped3A, %mul3A_156] : memref<2x1x160000xi32, #tpu.memory_space<hbm>> -> memref<1x1x128xi32, #tpu.memory_space<hbm>>
        %dma_start3A_165 = tpu.memref_squeeze %dma_start3A_164 : memref<1x1x128xi32, #tpu.memory_space<hbm>> -> memref<128xi32, #tpu.memory_space<hbm>>
        tpu.enqueue_dma source(%dma_start3A_165 : memref<128xi32, #tpu.memory_space<hbm>>) target(%arg10 : memref<128xi32, #tpu.memory_space<vmem>>) target_semaphore(%run_scoped3A_161 : memref<!tpu.dma_semaphore, #tpu.memory_space<semaphore_mem>>)
        %dma_wait3A_166 = tpu.memref_slice %arg4[%arg0, %run_scoped3A, %mul3A_156] : memref<2x1x160000xi32, #tpu.memory_space<hbm>> -> memref<1x1x128xi32, #tpu.memory_space<hbm>>
        %dma_wait3A_167 = tpu.memref_squeeze %dma_wait3A_166 : memref<1x1x128xi32, #tpu.memory_space<hbm>> -> memref<128xi32, #tpu.memory_space<hbm>>
        %dma_wait3A_168 = tpu.memref_slice %arg4[%arg0, %run_scoped3A, %mul3A_156] : memref<2x1x160000xi32, #tpu.memory_space<hbm>> -> memref<1x1x128xi32, #tpu.memory_space<hbm>>
        %dma_wait3A_169 = tpu.memref_squeeze %dma_wait3A_168 : memref<1x1x128xi32, #tpu.memory_space<hbm>> -> memref<128xi32, #tpu.memory_space<hbm>>
        tpu.wait_dma2 semaphore(%run_scoped3A_161 : memref<!tpu.dma_semaphore, #tpu.memory_space<semaphore_mem>>) src(%dma_wait3A_169 : memref<128xi32, #tpu.memory_space<hbm>>) dst(%arg10 : memref<128xi32, #tpu.memory_space<vmem>>)
        tpu.yield
      }) : () -> ()
      %dma_start3A = arith.constant 0 : i32
      %dma_start3A_157 = arith.constant 0 : i32
      %dma_start3A_158 = tpu.memref_slice %arg3[%dma_start3A, %dma_start3A_157] : memref<320000x128xf32, #tpu.memory_space<hbm>> -> memref<320000x128xf32, #tpu.memory_space<hbm>>
      tpu.enqueue_indirect_dma source(%dma_start3A_158 : memref<320000x128xf32, #tpu.memory_space<hbm>>) target(%arg11 : memref<128x128xf32, #tpu.memory_space<vmem>>) offsets(%arg10 : memref<128xi32, #tpu.memory_space<vmem>>) semaphore(%arg12 : memref<!tpu.dma_semaphore, #tpu.memory_space<semaphore_mem>>)
      %dma_wait3A = arith.constant 0 : i32
      %dma_wait3A_159 = arith.constant 0 : i32
      %dma_wait3A_160 = tpu.memref_slice %arg3[%dma_wait3A, %dma_wait3A_159] : memref<320000x128xf32, #tpu.memory_space<hbm>> -> memref<320000x128xf32, #tpu.memory_space<hbm>>
      tpu.wait_indirect_dma semaphore(%arg12 : memref<!tpu.dma_semaphore, #tpu.memory_space<semaphore_mem>>) src(%dma_wait3A_160 : memref<320000x128xf32, #tpu.memory_space<hbm>>) dst(%arg11 : memref<128x128xf32, #tpu.memory_space<vmem>>)
      "tpu.region"() ({
        %run_scoped3A_161 = tpu.sem_alloc : memref<!tpu.dma_semaphore, #tpu.memory_space<semaphore_mem>>
        %dma_start3A_162 = arith.constant 0 : i32
        %dma_start3A_163 = arith.constant 0 : i32
        %dma_start3A_164 = tpu.memref_slice %arg13[%dma_start3A_162, %dma_start3A_163] : memref<10240x128xf32, #tpu.memory_space<vmem_shared>> -> memref<10240x128xf32, #tpu.memory_space<vmem_shared>>
        tpu.enqueue_indirect_dma source(%arg11 : memref<128x128xf32, #tpu.memory_space<vmem>>) target(%dma_start3A_164 : memref<10240x128xf32, #tpu.memory_space<vmem_shared>>) offsets(%arg9 : memref<128xi32, #tpu.memory_space<vmem>>) semaphore(%run_scoped3A_161 : memref<!tpu.dma_semaphore, #tpu.memory_space<semaphore_mem>>) {add = true}
        %dma_wait3A_165 = arith.constant 0 : i32
        %dma_wait3A_166 = arith.constant 0 : i32
        %dma_wait3A_167 = tpu.memref_slice %arg13[%dma_wait3A_165, %dma_wait3A_166] : memref<10240x128xf32, #tpu.memory_space<vmem_shared>> -> memref<10240x128xf32, #tpu.memory_space<vmem_shared>>
        tpu.wait_indirect_dma semaphore(%run_scoped3A_161 : memref<!tpu.dma_semaphore, #tpu.memory_space<semaphore_mem>>) src(%arg11 : memref<128x128xf32, #tpu.memory_space<vmem>>) dst(%dma_wait3A_167 : memref<10240x128xf32, #tpu.memory_space<vmem_shared>>)
        tpu.yield
      }) : () -> ()
    }
    %while3A_30 = arith.constant 1 : i32
    scf.for %while3A_151 = %while3A_28 to %while3A_24 step %while3A_30  : i32 {
      %mul3A_152 = arith.constant 16 : i32
      %mul3A_153 = arith.muli %while3A_151, %mul3A_152 : i32
      %add3A_154 = arith.addi %mul3A_153, %arg1 : i32
      %mul3A_155 = arith.constant 128 : i32
      %mul3A_156 = arith.muli %add3A_154, %mul3A_155 : i32
      "tpu.region"() ({
        %run_scoped3A_161 = tpu.sem_alloc : memref<!tpu.dma_semaphore, #tpu.memory_space<semaphore_mem>>
        %dma_start3A_162 = tpu.memref_slice %arg2[%mul3A_156] : memref<160000xi32, #tpu.memory_space<hbm>> -> memref<128xi32, #tpu.memory_space<hbm>>
        %dma_start3A_163 = tpu.memref_slice %arg2[%mul3A_156] : memref<160000xi32, #tpu.memory_space<hbm>> -> memref<128xi32, #tpu.memory_space<hbm>>
        tpu.enqueue_dma source(%dma_start3A_163 : memref<128xi32, #tpu.memory_space<hbm>>) target(%arg9 : memref<128xi32, #tpu.memory_space<vmem>>) target_semaphore(%run_scoped3A_161 : memref<!tpu.dma_semaphore, #tpu.memory_space<semaphore_mem>>)
        %dma_wait3A_164 = tpu.memref_slice %arg2[%mul3A_156] : memref<160000xi32, #tpu.memory_space<hbm>> -> memref<128xi32, #tpu.memory_space<hbm>>
        %dma_wait3A_165 = tpu.memref_slice %arg2[%mul3A_156] : memref<160000xi32, #tpu.memory_space<hbm>> -> memref<128xi32, #tpu.memory_space<hbm>>
        tpu.wait_dma2 semaphore(%run_scoped3A_161 : memref<!tpu.dma_semaphore, #tpu.memory_space<semaphore_mem>>) src(%dma_wait3A_165 : memref<128xi32, #tpu.memory_space<hbm>>) dst(%arg9 : memref<128xi32, #tpu.memory_space<vmem>>)
        tpu.yield
      }) : () -> ()
      %run_scoped3A = arith.constant 0 : i32
      "tpu.region"() ({
        %run_scoped3A_161 = tpu.sem_alloc : memref<!tpu.dma_semaphore, #tpu.memory_space<semaphore_mem>>
        %dma_start3A_162 = tpu.memref_slice %arg4[%arg0, %run_scoped3A, %mul3A_156] : memref<2x1x160000xi32, #tpu.memory_space<hbm>> -> memref<1x1x128xi32, #tpu.memory_space<hbm>>
        %dma_start3A_163 = tpu.memref_squeeze %dma_start3A_162 : memref<1x1x128xi32, #tpu.memory_space<hbm>> -> memref<128xi32, #tpu.memory_space<hbm>>
        %dma_start3A_164 = tpu.memref_slice %arg4[%arg0, %run_scoped3A, %mul3A_156] : memref<2x1x160000xi32, #tpu.memory_space<hbm>> -> memref<1x1x128xi32, #tpu.memory_space<hbm>>
        %dma_start3A_165 = tpu.memref_squeeze %dma_start3A_164 : memref<1x1x128xi32, #tpu.memory_space<hbm>> -> memref<128xi32, #tpu.memory_space<hbm>>
        tpu.enqueue_dma source(%dma_start3A_165 : memref<128xi32, #tpu.memory_space<hbm>>) target(%arg10 : memref<128xi32, #tpu.memory_space<vmem>>) target_semaphore(%run_scoped3A_161 : memref<!tpu.dma_semaphore, #tpu.memory_space<semaphore_mem>>)
        %dma_wait3A_166 = tpu.memref_slice %arg4[%arg0, %run_scoped3A, %mul3A_156] : memref<2x1x160000xi32, #tpu.memory_space<hbm>> -> memref<1x1x128xi32, #tpu.memory_space<hbm>>
        %dma_wait3A_167 = tpu.memref_squeeze %dma_wait3A_166 : memref<1x1x128xi32, #tpu.memory_space<hbm>> -> memref<128xi32, #tpu.memory_space<hbm>>
        %dma_wait3A_168 = tpu.memref_slice %arg4[%arg0, %run_scoped3A, %mul3A_156] : memref<2x1x160000xi32, #tpu.memory_space<hbm>> -> memref<1x1x128xi32, #tpu.memory_space<hbm>>
        %dma_wait3A_169 = tpu.memref_squeeze %dma_wait3A_168 : memref<1x1x128xi32, #tpu.memory_space<hbm>> -> memref<128xi32, #tpu.memory_space<hbm>>
        tpu.wait_dma2 semaphore(%run_scoped3A_161 : memref<!tpu.dma_semaphore, #tpu.memory_space<semaphore_mem>>) src(%dma_wait3A_169 : memref<128xi32, #tpu.memory_space<hbm>>) dst(%arg10 : memref<128xi32, #tpu.memory_space<vmem>>)
        tpu.yield
      }) : () -> ()
      %dma_start3A = arith.constant 0 : i32
      %dma_start3A_157 = arith.constant 0 : i32
      %dma_start3A_158 = tpu.memref_slice %arg3[%dma_start3A, %dma_start3A_157] : memref<320000x128xf32, #tpu.memory_space<hbm>> -> memref<320000x128xf32, #tpu.memory_space<hbm>>
      tpu.enqueue_indirect_dma source(%dma_start3A_158 : memref<320000x128xf32, #tpu.memory_space<hbm>>) target(%arg11 : memref<128x128xf32, #tpu.memory_space<vmem>>) offsets(%arg10 : memref<128xi32, #tpu.memory_space<vmem>>) semaphore(%arg12 : memref<!tpu.dma_semaphore, #tpu.memory_space<semaphore_mem>>)
      %dma_wait3A = arith.constant 0 : i32
      %dma_wait3A_159 = arith.constant 0 : i32
      %dma_wait3A_160 = tpu.memref_slice %arg3[%dma_wait3A, %dma_wait3A_159] : memref<320000x128xf32, #tpu.memory_space<hbm>> -> memref<320000x128xf32, #tpu.memory_space<hbm>>
      tpu.wait_indirect_dma semaphore(%arg12 : memref<!tpu.dma_semaphore, #tpu.memory_space<semaphore_mem>>) src(%dma_wait3A_160 : memref<320000x128xf32, #tpu.memory_space<hbm>>) dst(%arg11 : memref<128x128xf32, #tpu.memory_space<vmem>>)
      "tpu.region"() ({
        %run_scoped3A_161 = tpu.sem_alloc : memref<!tpu.dma_semaphore, #tpu.memory_space<semaphore_mem>>
        %dma_start3A_162 = arith.constant 0 : i32
        %dma_start3A_163 = arith.constant 0 : i32
        %dma_start3A_164 = tpu.memref_slice %arg13[%dma_start3A_162, %dma_start3A_163] : memref<10240x128xf32, #tpu.memory_space<vmem_shared>> -> memref<10240x128xf32, #tpu.memory_space<vmem_shared>>
        tpu.enqueue_indirect_dma source(%arg11 : memref<128x128xf32, #tpu.memory_space<vmem>>) target(%dma_start3A_164 : memref<10240x128xf32, #tpu.memory_space<vmem_shared>>) offsets(%arg9 : memref<128xi32, #tpu.memory_space<vmem>>) semaphore(%run_scoped3A_161 : memref<!tpu.dma_semaphore, #tpu.memory_space<semaphore_mem>>) {add = true}
        %dma_wait3A_165 = arith.constant 0 : i32
        %dma_wait3A_166 = arith.constant 0 : i32
        %dma_wait3A_167 = tpu.memref_slice %arg13[%dma_wait3A_165, %dma_wait3A_166] : memref<10240x128xf32, #tpu.memory_space<vmem_shared>> -> memref<10240x128xf32, #tpu.memory_space<vmem_shared>>
        tpu.wait_indirect_dma semaphore(%run_scoped3A_161 : memref<!tpu.dma_semaphore, #tpu.memory_space<semaphore_mem>>) src(%arg11 : memref<128x128xf32, #tpu.memory_space<vmem>>) dst(%dma_wait3A_167 : memref<10240x128xf32, #tpu.memory_space<vmem_shared>>)
        tpu.yield
      }) : () -> ()
    }
    %barrier3A_31 = arith.constant 0 : index
    tpu.barrier barrier_id(%barrier3A_31)
    %mul3A_32 = arith.constant 640 : i32
    %mul3A_33 = arith.muli %arg1, %mul3A_32 : i32
    %add3A_34 = arith.constant 0 : i32
    %add3A_35 = arith.addi %mul3A_33, %add3A_34 : i32
    "tpu.region"() ({
      %run_scoped3A = tpu.sem_alloc : memref<!tpu.dma_semaphore, #tpu.memory_space<semaphore_mem>>
      %dma_start3A = arith.constant 0 : i32
      %dma_start3A_151 = tpu.memref_slice %arg13[%add3A_35, %dma_start3A] : memref<10240x128xf32, #tpu.memory_space<vmem_shared>> -> memref<128x128xf32, #tpu.memory_space<vmem_shared>>
      %dma_start3A_152 = arith.constant 0 : i32
      %dma_start3A_153 = tpu.memref_slice %arg13[%add3A_35, %dma_start3A_152] : memref<10240x128xf32, #tpu.memory_space<vmem_shared>> -> memref<128x128xf32, #tpu.memory_space<vmem_shared>>
      tpu.enqueue_dma source(%dma_start3A_153 : memref<128x128xf32, #tpu.memory_space<vmem_shared>>) target(%arg11 : memref<128x128xf32, #tpu.memory_space<vmem>>) target_semaphore(%run_scoped3A : memref<!tpu.dma_semaphore, #tpu.memory_space<semaphore_mem>>)
      %dma_wait3A = arith.constant 0 : i32
      %dma_wait3A_154 = tpu.memref_slice %arg13[%add3A_35, %dma_wait3A] : memref<10240x128xf32, #tpu.memory_space<vmem_shared>> -> memref<128x128xf32, #tpu.memory_space<vmem_shared>>
      %dma_wait3A_155 = arith.constant 0 : i32
      %dma_wait3A_156 = tpu.memref_slice %arg13[%add3A_35, %dma_wait3A_155] : memref<10240x128xf32, #tpu.memory_space<vmem_shared>> -> memref<128x128xf32, #tpu.memory_space<vmem_shared>>
      tpu.wait_dma2 semaphore(%run_scoped3A : memref<!tpu.dma_semaphore, #tpu.memory_space<semaphore_mem>>) src(%dma_wait3A_156 : memref<128x128xf32, #tpu.memory_space<vmem_shared>>) dst(%arg11 : memref<128x128xf32, #tpu.memory_space<vmem>>)
      tpu.yield
    }) : () -> ()
    %mul3A_36 = arith.constant 640 : i32
    %mul3A_37 = arith.muli %arg1, %mul3A_36 : i32
    %add3A_38 = arith.constant 0 : i32
    %add3A_39 = arith.addi %mul3A_37, %add3A_38 : i32
    "tpu.region"() ({
      %run_scoped3A = tpu.sem_alloc : memref<!tpu.dma_semaphore, #tpu.memory_space<semaphore_mem>>
      %dma_start3A = arith.constant 0 : i32
      %dma_start3A_151 = tpu.memref_slice %arg7[%arg0, %add3A_39, %dma_start3A] : memref<2x10240x128xf32, #tpu.memory_space<hbm>> -> memref<1x128x128xf32, #tpu.memory_space<hbm>>
      %dma_start3A_152 = tpu.memref_squeeze %dma_start3A_151 : memref<1x128x128xf32, #tpu.memory_space<hbm>> -> memref<128x128xf32, #tpu.memory_space<hbm>>
      %dma_start3A_153 = arith.constant 0 : i32
      %dma_start3A_154 = tpu.memref_slice %arg7[%arg0, %add3A_39, %dma_start3A_153] : memref<2x10240x128xf32, #tpu.memory_space<hbm>> -> memref<1x128x128xf32, #tpu.memory_space<hbm>>
      %dma_start3A_155 = tpu.memref_squeeze %dma_start3A_154 : memref<1x128x128xf32, #tpu.memory_space<hbm>> -> memref<128x128xf32, #tpu.memory_space<hbm>>
      tpu.enqueue_dma source(%arg11 : memref<128x128xf32, #tpu.memory_space<vmem>>) target(%dma_start3A_155 : memref<128x128xf32, #tpu.memory_space<hbm>>) target_semaphore(%run_scoped3A : memref<!tpu.dma_semaphore, #tpu.memory_space<semaphore_mem>>)
      %dma_wait3A = arith.constant 0 : i32
      %dma_wait3A_156 = tpu.memref_slice %arg7[%arg0, %add3A_39, %dma_wait3A] : memref<2x10240x128xf32, #tpu.memory_space<hbm>> -> memref<1x128x128xf32, #tpu.memory_space<hbm>>
      %dma_wait3A_157 = tpu.memref_squeeze %dma_wait3A_156 : memref<1x128x128xf32, #tpu.memory_space<hbm>> -> memref<128x128xf32, #tpu.memory_space<hbm>>
      %dma_wait3A_158 = arith.constant 0 : i32
      %dma_wait3A_159 = tpu.memref_slice %arg7[%arg0, %add3A_39, %dma_wait3A_158] : memref<2x10240x128xf32, #tpu.memory_space<hbm>> -> memref<1x128x128xf32, #tpu.memory_space<hbm>>
      %dma_wait3A_160 = tpu.memref_squeeze %dma_wait3A_159 : memref<1x128x128xf32, #tpu.memory_space<hbm>> -> memref<128x128xf32, #tpu.memory_space<hbm>>
      tpu.wait_dma2 semaphore(%run_scoped3A : memref<!tpu.dma_semaphore, #tpu.memory_space<semaphore_mem>>) src(%arg11 : memref<128x128xf32, #tpu.memory_space<vmem>>) dst(%dma_wait3A_160 : memref<128x128xf32, #tpu.memory_space<hbm>>)
      tpu.yield
    }) : () -> ()
    %mul3A_40 = arith.constant 640 : i32
    %mul3A_41 = arith.muli %arg1, %mul3A_40 : i32
    %add3A_42 = arith.constant 128 : i32
    %add3A_43 = arith.addi %mul3A_41, %add3A_42 : i32
    "tpu.region"() ({
      %run_scoped3A = tpu.sem_alloc : memref<!tpu.dma_semaphore, #tpu.memory_space<semaphore_mem>>
      %dma_start3A = arith.constant 0 : i32
      %dma_start3A_151 = tpu.memref_slice %arg13[%add3A_43, %dma_start3A] : memref<10240x128xf32, #tpu.memory_space<vmem_shared>> -> memref<128x128xf32, #tpu.memory_space<vmem_shared>>
      %dma_start3A_152 = arith.constant 0 : i32
      %dma_start3A_153 = tpu.memref_slice %arg13[%add3A_43, %dma_start3A_152] : memref<10240x128xf32, #tpu.memory_space<vmem_shared>> -> memref<128x128xf32, #tpu.memory_space<vmem_shared>>
      tpu.enqueue_dma source(%dma_start3A_153 : memref<128x128xf32, #tpu.memory_space<vmem_shared>>) target(%arg11 : memref<128x128xf32, #tpu.memory_space<vmem>>) target_semaphore(%run_scoped3A : memref<!tpu.dma_semaphore, #tpu.memory_space<semaphore_mem>>)
      %dma_wait3A = arith.constant 0 : i32
      %dma_wait3A_154 = tpu.memref_slice %arg13[%add3A_43, %dma_wait3A] : memref<10240x128xf32, #tpu.memory_space<vmem_shared>> -> memref<128x128xf32, #tpu.memory_space<vmem_shared>>
      %dma_wait3A_155 = arith.constant 0 : i32
      %dma_wait3A_156 = tpu.memref_slice %arg13[%add3A_43, %dma_wait3A_155] : memref<10240x128xf32, #tpu.memory_space<vmem_shared>> -> memref<128x128xf32, #tpu.memory_space<vmem_shared>>
      tpu.wait_dma2 semaphore(%run_scoped3A : memref<!tpu.dma_semaphore, #tpu.memory_space<semaphore_mem>>) src(%dma_wait3A_156 : memref<128x128xf32, #tpu.memory_space<vmem_shared>>) dst(%arg11 : memref<128x128xf32, #tpu.memory_space<vmem>>)
      tpu.yield
    }) : () -> ()
    %mul3A_44 = arith.constant 640 : i32
    %mul3A_45 = arith.muli %arg1, %mul3A_44 : i32
    %add3A_46 = arith.constant 128 : i32
    %add3A_47 = arith.addi %mul3A_45, %add3A_46 : i32
    "tpu.region"() ({
      %run_scoped3A = tpu.sem_alloc : memref<!tpu.dma_semaphore, #tpu.memory_space<semaphore_mem>>
      %dma_start3A = arith.constant 0 : i32
      %dma_start3A_151 = tpu.memref_slice %arg7[%arg0, %add3A_47, %dma_start3A] : memref<2x10240x128xf32, #tpu.memory_space<hbm>> -> memref<1x128x128xf32, #tpu.memory_space<hbm>>
      %dma_start3A_152 = tpu.memref_squeeze %dma_start3A_151 : memref<1x128x128xf32, #tpu.memory_space<hbm>> -> memref<128x128xf32, #tpu.memory_space<hbm>>
      %dma_start3A_153 = arith.constant 0 : i32
      %dma_start3A_154 = tpu.memref_slice %arg7[%arg0, %add3A_47, %dma_start3A_153] : memref<2x10240x128xf32, #tpu.memory_space<hbm>> -> memref<1x128x128xf32, #tpu.memory_space<hbm>>
      %dma_start3A_155 = tpu.memref_squeeze %dma_start3A_154 : memref<1x128x128xf32, #tpu.memory_space<hbm>> -> memref<128x128xf32, #tpu.memory_space<hbm>>
      tpu.enqueue_dma source(%arg11 : memref<128x128xf32, #tpu.memory_space<vmem>>) target(%dma_start3A_155 : memref<128x128xf32, #tpu.memory_space<hbm>>) target_semaphore(%run_scoped3A : memref<!tpu.dma_semaphore, #tpu.memory_space<semaphore_mem>>)
      %dma_wait3A = arith.constant 0 : i32
      %dma_wait3A_156 = tpu.memref_slice %arg7[%arg0, %add3A_47, %dma_wait3A] : memref<2x10240x128xf32, #tpu.memory_space<hbm>> -> memref<1x128x128xf32, #tpu.memory_space<hbm>>
      %dma_wait3A_157 = tpu.memref_squeeze %dma_wait3A_156 : memref<1x128x128xf32, #tpu.memory_space<hbm>> -> memref<128x128xf32, #tpu.memory_space<hbm>>
      %dma_wait3A_158 = arith.constant 0 : i32
      %dma_wait3A_159 = tpu.memref_slice %arg7[%arg0, %add3A_47, %dma_wait3A_158] : memref<2x10240x128xf32, #tpu.memory_space<hbm>> -> memref<1x128x128xf32, #tpu.memory_space<hbm>>
      %dma_wait3A_160 = tpu.memref_squeeze %dma_wait3A_159 : memref<1x128x128xf32, #tpu.memory_space<hbm>> -> memref<128x128xf32, #tpu.memory_space<hbm>>
      tpu.wait_dma2 semaphore(%run_scoped3A : memref<!tpu.dma_semaphore, #tpu.memory_space<semaphore_mem>>) src(%arg11 : memref<128x128xf32, #tpu.memory_space<vmem>>) dst(%dma_wait3A_160 : memref<128x128xf32, #tpu.memory_space<hbm>>)
      tpu.yield
    }) : () -> ()
    %mul3A_48 = arith.constant 640 : i32
    %mul3A_49 = arith.muli %arg1, %mul3A_48 : i32
    %add3A_50 = arith.constant 256 : i32
    %add3A_51 = arith.addi %mul3A_49, %add3A_50 : i32
    "tpu.region"() ({
      %run_scoped3A = tpu.sem_alloc : memref<!tpu.dma_semaphore, #tpu.memory_space<semaphore_mem>>
      %dma_start3A = arith.constant 0 : i32
      %dma_start3A_151 = tpu.memref_slice %arg13[%add3A_51, %dma_start3A] : memref<10240x128xf32, #tpu.memory_space<vmem_shared>> -> memref<128x128xf32, #tpu.memory_space<vmem_shared>>
      %dma_start3A_152 = arith.constant 0 : i32
      %dma_start3A_153 = tpu.memref_slice %arg13[%add3A_51, %dma_start3A_152] : memref<10240x128xf32, #tpu.memory_space<vmem_shared>> -> memref<128x128xf32, #tpu.memory_space<vmem_shared>>
      tpu.enqueue_dma source(%dma_start3A_153 : memref<128x128xf32, #tpu.memory_space<vmem_shared>>) target(%arg11 : memref<128x128xf32, #tpu.memory_space<vmem>>) target_semaphore(%run_scoped3A : memref<!tpu.dma_semaphore, #tpu.memory_space<semaphore_mem>>)
      %dma_wait3A = arith.constant 0 : i32
      %dma_wait3A_154 = tpu.memref_slice %arg13[%add3A_51, %dma_wait3A] : memref<10240x128xf32, #tpu.memory_space<vmem_shared>> -> memref<128x128xf32, #tpu.memory_space<vmem_shared>>
      %dma_wait3A_155 = arith.constant 0 : i32
      %dma_wait3A_156 = tpu.memref_slice %arg13[%add3A_51, %dma_wait3A_155] : memref<10240x128xf32, #tpu.memory_space<vmem_shared>> -> memref<128x128xf32, #tpu.memory_space<vmem_shared>>
      tpu.wait_dma2 semaphore(%run_scoped3A : memref<!tpu.dma_semaphore, #tpu.memory_space<semaphore_mem>>) src(%dma_wait3A_156 : memref<128x128xf32, #tpu.memory_space<vmem_shared>>) dst(%arg11 : memref<128x128xf32, #tpu.memory_space<vmem>>)
      tpu.yield
    }) : () -> ()
    %mul3A_52 = arith.constant 640 : i32
    %mul3A_53 = arith.muli %arg1, %mul3A_52 : i32
    %add3A_54 = arith.constant 256 : i32
    %add3A_55 = arith.addi %mul3A_53, %add3A_54 : i32
    "tpu.region"() ({
      %run_scoped3A = tpu.sem_alloc : memref<!tpu.dma_semaphore, #tpu.memory_space<semaphore_mem>>
      %dma_start3A = arith.constant 0 : i32
      %dma_start3A_151 = tpu.memref_slice %arg7[%arg0, %add3A_55, %dma_start3A] : memref<2x10240x128xf32, #tpu.memory_space<hbm>> -> memref<1x128x128xf32, #tpu.memory_space<hbm>>
      %dma_start3A_152 = tpu.memref_squeeze %dma_start3A_151 : memref<1x128x128xf32, #tpu.memory_space<hbm>> -> memref<128x128xf32, #tpu.memory_space<hbm>>
      %dma_start3A_153 = arith.constant 0 : i32
      %dma_start3A_154 = tpu.memref_slice %arg7[%arg0, %add3A_55, %dma_start3A_153] : memref<2x10240x128xf32, #tpu.memory_space<hbm>> -> memref<1x128x128xf32, #tpu.memory_space<hbm>>
      %dma_start3A_155 = tpu.memref_squeeze %dma_start3A_154 : memref<1x128x128xf32, #tpu.memory_space<hbm>> -> memref<128x128xf32, #tpu.memory_space<hbm>>
      tpu.enqueue_dma source(%arg11 : memref<128x128xf32, #tpu.memory_space<vmem>>) target(%dma_start3A_155 : memref<128x128xf32, #tpu.memory_space<hbm>>) target_semaphore(%run_scoped3A : memref<!tpu.dma_semaphore, #tpu.memory_space<semaphore_mem>>)
      %dma_wait3A = arith.constant 0 : i32
      %dma_wait3A_156 = tpu.memref_slice %arg7[%arg0, %add3A_55, %dma_wait3A] : memref<2x10240x128xf32, #tpu.memory_space<hbm>> -> memref<1x128x128xf32, #tpu.memory_space<hbm>>
      %dma_wait3A_157 = tpu.memref_squeeze %dma_wait3A_156 : memref<1x128x128xf32, #tpu.memory_space<hbm>> -> memref<128x128xf32, #tpu.memory_space<hbm>>
      %dma_wait3A_158 = arith.constant 0 : i32
      %dma_wait3A_159 = tpu.memref_slice %arg7[%arg0, %add3A_55, %dma_wait3A_158] : memref<2x10240x128xf32, #tpu.memory_space<hbm>> -> memref<1x128x128xf32, #tpu.memory_space<hbm>>
      %dma_wait3A_160 = tpu.memref_squeeze %dma_wait3A_159 : memref<1x128x128xf32, #tpu.memory_space<hbm>> -> memref<128x128xf32, #tpu.memory_space<hbm>>
      tpu.wait_dma2 semaphore(%run_scoped3A : memref<!tpu.dma_semaphore, #tpu.memory_space<semaphore_mem>>) src(%arg11 : memref<128x128xf32, #tpu.memory_space<vmem>>) dst(%dma_wait3A_160 : memref<128x128xf32, #tpu.memory_space<hbm>>)
      tpu.yield
    }) : () -> ()
    %mul3A_56 = arith.constant 640 : i32
    %mul3A_57 = arith.muli %arg1, %mul3A_56 : i32
    %add3A_58 = arith.constant 384 : i32
    %add3A_59 = arith.addi %mul3A_57, %add3A_58 : i32
    "tpu.region"() ({
      %run_scoped3A = tpu.sem_alloc : memref<!tpu.dma_semaphore, #tpu.memory_space<semaphore_mem>>
      %dma_start3A = arith.constant 0 : i32
      %dma_start3A_151 = tpu.memref_slice %arg13[%add3A_59, %dma_start3A] : memref<10240x128xf32, #tpu.memory_space<vmem_shared>> -> memref<128x128xf32, #tpu.memory_space<vmem_shared>>
      %dma_start3A_152 = arith.constant 0 : i32
      %dma_start3A_153 = tpu.memref_slice %arg13[%add3A_59, %dma_start3A_152] : memref<10240x128xf32, #tpu.memory_space<vmem_shared>> -> memref<128x128xf32, #tpu.memory_space<vmem_shared>>
      tpu.enqueue_dma source(%dma_start3A_153 : memref<128x128xf32, #tpu.memory_space<vmem_shared>>) target(%arg11 : memref<128x128xf32, #tpu.memory_space<vmem>>) target_semaphore(%run_scoped3A : memref<!tpu.dma_semaphore, #tpu.memory_space<semaphore_mem>>)
      %dma_wait3A = arith.constant 0 : i32
      %dma_wait3A_154 = tpu.memref_slice %arg13[%add3A_59, %dma_wait3A] : memref<10240x128xf32, #tpu.memory_space<vmem_shared>> -> memref<128x128xf32, #tpu.memory_space<vmem_shared>>
      %dma_wait3A_155 = arith.constant 0 : i32
      %dma_wait3A_156 = tpu.memref_slice %arg13[%add3A_59, %dma_wait3A_155] : memref<10240x128xf32, #tpu.memory_space<vmem_shared>> -> memref<128x128xf32, #tpu.memory_space<vmem_shared>>
      tpu.wait_dma2 semaphore(%run_scoped3A : memref<!tpu.dma_semaphore, #tpu.memory_space<semaphore_mem>>) src(%dma_wait3A_156 : memref<128x128xf32, #tpu.memory_space<vmem_shared>>) dst(%arg11 : memref<128x128xf32, #tpu.memory_space<vmem>>)
      tpu.yield
    }) : () -> ()
    %mul3A_60 = arith.constant 640 : i32
    %mul3A_61 = arith.muli %arg1, %mul3A_60 : i32
    %add3A_62 = arith.constant 384 : i32
    %add3A_63 = arith.addi %mul3A_61, %add3A_62 : i32
    "tpu.region"() ({
      %run_scoped3A = tpu.sem_alloc : memref<!tpu.dma_semaphore, #tpu.memory_space<semaphore_mem>>
      %dma_start3A = arith.constant 0 : i32
      %dma_start3A_151 = tpu.memref_slice %arg7[%arg0, %add3A_63, %dma_start3A] : memref<2x10240x128xf32, #tpu.memory_space<hbm>> -> memref<1x128x128xf32, #tpu.memory_space<hbm>>
      %dma_start3A_152 = tpu.memref_squeeze %dma_start3A_151 : memref<1x128x128xf32, #tpu.memory_space<hbm>> -> memref<128x128xf32, #tpu.memory_space<hbm>>
      %dma_start3A_153 = arith.constant 0 : i32
      %dma_start3A_154 = tpu.memref_slice %arg7[%arg0, %add3A_63, %dma_start3A_153] : memref<2x10240x128xf32, #tpu.memory_space<hbm>> -> memref<1x128x128xf32, #tpu.memory_space<hbm>>
      %dma_start3A_155 = tpu.memref_squeeze %dma_start3A_154 : memref<1x128x128xf32, #tpu.memory_space<hbm>> -> memref<128x128xf32, #tpu.memory_space<hbm>>
      tpu.enqueue_dma source(%arg11 : memref<128x128xf32, #tpu.memory_space<vmem>>) target(%dma_start3A_155 : memref<128x128xf32, #tpu.memory_space<hbm>>) target_semaphore(%run_scoped3A : memref<!tpu.dma_semaphore, #tpu.memory_space<semaphore_mem>>)
      %dma_wait3A = arith.constant 0 : i32
      %dma_wait3A_156 = tpu.memref_slice %arg7[%arg0, %add3A_63, %dma_wait3A] : memref<2x10240x128xf32, #tpu.memory_space<hbm>> -> memref<1x128x128xf32, #tpu.memory_space<hbm>>
      %dma_wait3A_157 = tpu.memref_squeeze %dma_wait3A_156 : memref<1x128x128xf32, #tpu.memory_space<hbm>> -> memref<128x128xf32, #tpu.memory_space<hbm>>
      %dma_wait3A_158 = arith.constant 0 : i32
      %dma_wait3A_159 = tpu.memref_slice %arg7[%arg0, %add3A_63, %dma_wait3A_158] : memref<2x10240x128xf32, #tpu.memory_space<hbm>> -> memref<1x128x128xf32, #tpu.memory_space<hbm>>
      %dma_wait3A_160 = tpu.memref_squeeze %dma_wait3A_159 : memref<1x128x128xf32, #tpu.memory_space<hbm>> -> memref<128x128xf32, #tpu.memory_space<hbm>>
      tpu.wait_dma2 semaphore(%run_scoped3A : memref<!tpu.dma_semaphore, #tpu.memory_space<semaphore_mem>>) src(%arg11 : memref<128x128xf32, #tpu.memory_space<vmem>>) dst(%dma_wait3A_160 : memref<128x128xf32, #tpu.memory_space<hbm>>)
      tpu.yield
    }) : () -> ()
    %mul3A_64 = arith.constant 640 : i32
    %mul3A_65 = arith.muli %arg1, %mul3A_64 : i32
    %add3A_66 = arith.constant 512 : i32
    %add3A_67 = arith.addi %mul3A_65, %add3A_66 : i32
    "tpu.region"() ({
      %run_scoped3A = tpu.sem_alloc : memref<!tpu.dma_semaphore, #tpu.memory_space<semaphore_mem>>
      %dma_start3A = arith.constant 0 : i32
      %dma_start3A_151 = tpu.memref_slice %arg13[%add3A_67, %dma_start3A] : memref<10240x128xf32, #tpu.memory_space<vmem_shared>> -> memref<128x128xf32, #tpu.memory_space<vmem_shared>>
      %dma_start3A_152 = arith.constant 0 : i32
      %dma_start3A_153 = tpu.memref_slice %arg13[%add3A_67, %dma_start3A_152] : memref<10240x128xf32, #tpu.memory_space<vmem_shared>> -> memref<128x128xf32, #tpu.memory_space<vmem_shared>>
      tpu.enqueue_dma source(%dma_start3A_153 : memref<128x128xf32, #tpu.memory_space<vmem_shared>>) target(%arg11 : memref<128x128xf32, #tpu.memory_space<vmem>>) target_semaphore(%run_scoped3A : memref<!tpu.dma_semaphore, #tpu.memory_space<semaphore_mem>>)
      %dma_wait3A = arith.constant 0 : i32
      %dma_wait3A_154 = tpu.memref_slice %arg13[%add3A_67, %dma_wait3A] : memref<10240x128xf32, #tpu.memory_space<vmem_shared>> -> memref<128x128xf32, #tpu.memory_space<vmem_shared>>
      %dma_wait3A_155 = arith.constant 0 : i32
      %dma_wait3A_156 = tpu.memref_slice %arg13[%add3A_67, %dma_wait3A_155] : memref<10240x128xf32, #tpu.memory_space<vmem_shared>> -> memref<128x128xf32, #tpu.memory_space<vmem_shared>>
      tpu.wait_dma2 semaphore(%run_scoped3A : memref<!tpu.dma_semaphore, #tpu.memory_space<semaphore_mem>>) src(%dma_wait3A_156 : memref<128x128xf32, #tpu.memory_space<vmem_shared>>) dst(%arg11 : memref<128x128xf32, #tpu.memory_space<vmem>>)
      tpu.yield
    }) : () -> ()
    %mul3A_68 = arith.constant 640 : i32
    %mul3A_69 = arith.muli %arg1, %mul3A_68 : i32
    %add3A_70 = arith.constant 512 : i32
    %add3A_71 = arith.addi %mul3A_69, %add3A_70 : i32
    "tpu.region"() ({
      %run_scoped3A = tpu.sem_alloc : memref<!tpu.dma_semaphore, #tpu.memory_space<semaphore_mem>>
      %dma_start3A = arith.constant 0 : i32
      %dma_start3A_151 = tpu.memref_slice %arg7[%arg0, %add3A_71, %dma_start3A] : memref<2x10240x128xf32, #tpu.memory_space<hbm>> -> memref<1x128x128xf32, #tpu.memory_space<hbm>>
      %dma_start3A_152 = tpu.memref_squeeze %dma_start3A_151 : memref<1x128x128xf32, #tpu.memory_space<hbm>> -> memref<128x128xf32, #tpu.memory_space<hbm>>
      %dma_start3A_153 = arith.constant 0 : i32
      %dma_start3A_154 = tpu.memref_slice %arg7[%arg0, %add3A_71, %dma_start3A_153] : memref<2x10240x128xf32, #tpu.memory_space<hbm>> -> memref<1x128x128xf32, #tpu.memory_space<hbm>>
      %dma_start3A_155 = tpu.memref_squeeze %dma_start3A_154 : memref<1x128x128xf32, #tpu.memory_space<hbm>> -> memref<128x128xf32, #tpu.memory_space<hbm>>
      tpu.enqueue_dma source(%arg11 : memref<128x128xf32, #tpu.memory_space<vmem>>) target(%dma_start3A_155 : memref<128x128xf32, #tpu.memory_space<hbm>>) target_semaphore(%run_scoped3A : memref<!tpu.dma_semaphore, #tpu.memory_space<semaphore_mem>>)
      %dma_wait3A = arith.constant 0 : i32
      %dma_wait3A_156 = tpu.memref_slice %arg7[%arg0, %add3A_71, %dma_wait3A] : memref<2x10240x128xf32, #tpu.memory_space<hbm>> -> memref<1x128x128xf32, #tpu.memory_space<hbm>>
      %dma_wait3A_157 = tpu.memref_squeeze %dma_wait3A_156 : memref<1x128x128xf32, #tpu.memory_space<hbm>> -> memref<128x128xf32, #tpu.memory_space<hbm>>
      %dma_wait3A_158 = arith.constant 0 : i32
      %dma_wait3A_159 = tpu.memref_slice %arg7[%arg0, %add3A_71, %dma_wait3A_158] : memref<2x10240x128xf32, #tpu.memory_space<hbm>> -> memref<1x128x128xf32, #tpu.memory_space<hbm>>
      %dma_wait3A_160 = tpu.memref_squeeze %dma_wait3A_159 : memref<1x128x128xf32, #tpu.memory_space<hbm>> -> memref<128x128xf32, #tpu.memory_space<hbm>>
      tpu.wait_dma2 semaphore(%run_scoped3A : memref<!tpu.dma_semaphore, #tpu.memory_space<semaphore_mem>>) src(%arg11 : memref<128x128xf32, #tpu.memory_space<vmem>>) dst(%dma_wait3A_160 : memref<128x128xf32, #tpu.memory_space<hbm>>)
      tpu.yield
    }) : () -> ()
    "tpu.region"() ({
      %run_scoped3A = tpu.sem_alloc : memref<!tpu.dma_semaphore, #tpu.memory_space<semaphore_mem>>
      tpu.enqueue_dma source(%arg5 : memref<128x128xf32, #tpu.memory_space<hbm>>) target(%arg11 : memref<128x128xf32, #tpu.memory_space<vmem>>) target_semaphore(%run_scoped3A : memref<!tpu.dma_semaphore, #tpu.memory_space<semaphore_mem>>)
      tpu.wait_dma2 semaphore(%run_scoped3A : memref<!tpu.dma_semaphore, #tpu.memory_space<semaphore_mem>>) src(%arg5 : memref<128x128xf32, #tpu.memory_space<hbm>>) dst(%arg11 : memref<128x128xf32, #tpu.memory_space<vmem>>)
      tpu.yield
    }) : () -> ()
    %mul3A_72 = arith.constant 640 : i32
    %mul3A_73 = arith.muli %arg1, %mul3A_72 : i32
    %add3A_74 = arith.constant 0 : i32
    %add3A_75 = arith.addi %mul3A_73, %add3A_74 : i32
    "tpu.region"() ({
      %run_scoped3A = tpu.sem_alloc : memref<!tpu.dma_semaphore, #tpu.memory_space<semaphore_mem>>
      %dma_start3A = arith.constant 0 : i32
      %dma_start3A_151 = tpu.memref_slice %arg13[%add3A_75, %dma_start3A] : memref<10240x128xf32, #tpu.memory_space<vmem_shared>> -> memref<128x128xf32, #tpu.memory_space<vmem_shared>>
      %dma_start3A_152 = arith.constant 0 : i32
      %dma_start3A_153 = tpu.memref_slice %arg13[%add3A_75, %dma_start3A_152] : memref<10240x128xf32, #tpu.memory_space<vmem_shared>> -> memref<128x128xf32, #tpu.memory_space<vmem_shared>>
      tpu.enqueue_dma source(%arg11 : memref<128x128xf32, #tpu.memory_space<vmem>>) target(%dma_start3A_153 : memref<128x128xf32, #tpu.memory_space<vmem_shared>>) target_semaphore(%run_scoped3A : memref<!tpu.dma_semaphore, #tpu.memory_space<semaphore_mem>>)
      %dma_wait3A = arith.constant 0 : i32
      %dma_wait3A_154 = tpu.memref_slice %arg13[%add3A_75, %dma_wait3A] : memref<10240x128xf32, #tpu.memory_space<vmem_shared>> -> memref<128x128xf32, #tpu.memory_space<vmem_shared>>
      %dma_wait3A_155 = arith.constant 0 : i32
      %dma_wait3A_156 = tpu.memref_slice %arg13[%add3A_75, %dma_wait3A_155] : memref<10240x128xf32, #tpu.memory_space<vmem_shared>> -> memref<128x128xf32, #tpu.memory_space<vmem_shared>>
      tpu.wait_dma2 semaphore(%run_scoped3A : memref<!tpu.dma_semaphore, #tpu.memory_space<semaphore_mem>>) src(%arg11 : memref<128x128xf32, #tpu.memory_space<vmem>>) dst(%dma_wait3A_156 : memref<128x128xf32, #tpu.memory_space<vmem_shared>>)
      tpu.yield
    }) : () -> ()
    %mul3A_76 = arith.constant 640 : i32
    %mul3A_77 = arith.muli %arg1, %mul3A_76 : i32
    %add3A_78 = arith.constant 128 : i32
    %add3A_79 = arith.addi %mul3A_77, %add3A_78 : i32
    "tpu.region"() ({
      %run_scoped3A = tpu.sem_alloc : memref<!tpu.dma_semaphore, #tpu.memory_space<semaphore_mem>>
      %dma_start3A = arith.constant 0 : i32
      %dma_start3A_151 = tpu.memref_slice %arg13[%add3A_79, %dma_start3A] : memref<10240x128xf32, #tpu.memory_space<vmem_shared>> -> memref<128x128xf32, #tpu.memory_space<vmem_shared>>
      %dma_start3A_152 = arith.constant 0 : i32
      %dma_start3A_153 = tpu.memref_slice %arg13[%add3A_79, %dma_start3A_152] : memref<10240x128xf32, #tpu.memory_space<vmem_shared>> -> memref<128x128xf32, #tpu.memory_space<vmem_shared>>
      tpu.enqueue_dma source(%arg11 : memref<128x128xf32, #tpu.memory_space<vmem>>) target(%dma_start3A_153 : memref<128x128xf32, #tpu.memory_space<vmem_shared>>) target_semaphore(%run_scoped3A : memref<!tpu.dma_semaphore, #tpu.memory_space<semaphore_mem>>)
      %dma_wait3A = arith.constant 0 : i32
      %dma_wait3A_154 = tpu.memref_slice %arg13[%add3A_79, %dma_wait3A] : memref<10240x128xf32, #tpu.memory_space<vmem_shared>> -> memref<128x128xf32, #tpu.memory_space<vmem_shared>>
      %dma_wait3A_155 = arith.constant 0 : i32
      %dma_wait3A_156 = tpu.memref_slice %arg13[%add3A_79, %dma_wait3A_155] : memref<10240x128xf32, #tpu.memory_space<vmem_shared>> -> memref<128x128xf32, #tpu.memory_space<vmem_shared>>
      tpu.wait_dma2 semaphore(%run_scoped3A : memref<!tpu.dma_semaphore, #tpu.memory_space<semaphore_mem>>) src(%arg11 : memref<128x128xf32, #tpu.memory_space<vmem>>) dst(%dma_wait3A_156 : memref<128x128xf32, #tpu.memory_space<vmem_shared>>)
      tpu.yield
    }) : () -> ()
    %mul3A_80 = arith.constant 640 : i32
    %mul3A_81 = arith.muli %arg1, %mul3A_80 : i32
    %add3A_82 = arith.constant 256 : i32
    %add3A_83 = arith.addi %mul3A_81, %add3A_82 : i32
    "tpu.region"() ({
      %run_scoped3A = tpu.sem_alloc : memref<!tpu.dma_semaphore, #tpu.memory_space<semaphore_mem>>
      %dma_start3A = arith.constant 0 : i32
      %dma_start3A_151 = tpu.memref_slice %arg13[%add3A_83, %dma_start3A] : memref<10240x128xf32, #tpu.memory_space<vmem_shared>> -> memref<128x128xf32, #tpu.memory_space<vmem_shared>>
      %dma_start3A_152 = arith.constant 0 : i32
      %dma_start3A_153 = tpu.memref_slice %arg13[%add3A_83, %dma_start3A_152] : memref<10240x128xf32, #tpu.memory_space<vmem_shared>> -> memref<128x128xf32, #tpu.memory_space<vmem_shared>>
      tpu.enqueue_dma source(%arg11 : memref<128x128xf32, #tpu.memory_space<vmem>>) target(%dma_start3A_153 : memref<128x128xf32, #tpu.memory_space<vmem_shared>>) target_semaphore(%run_scoped3A : memref<!tpu.dma_semaphore, #tpu.memory_space<semaphore_mem>>)
      %dma_wait3A = arith.constant 0 : i32
      %dma_wait3A_154 = tpu.memref_slice %arg13[%add3A_83, %dma_wait3A] : memref<10240x128xf32, #tpu.memory_space<vmem_shared>> -> memref<128x128xf32, #tpu.memory_space<vmem_shared>>
      %dma_wait3A_155 = arith.constant 0 : i32
      %dma_wait3A_156 = tpu.memref_slice %arg13[%add3A_83, %dma_wait3A_155] : memref<10240x128xf32, #tpu.memory_space<vmem_shared>> -> memref<128x128xf32, #tpu.memory_space<vmem_shared>>
      tpu.wait_dma2 semaphore(%run_scoped3A : memref<!tpu.dma_semaphore, #tpu.memory_space<semaphore_mem>>) src(%arg11 : memref<128x128xf32, #tpu.memory_space<vmem>>) dst(%dma_wait3A_156 : memref<128x128xf32, #tpu.memory_space<vmem_shared>>)
      tpu.yield
    }) : () -> ()
    %mul3A_84 = arith.constant 640 : i32
    %mul3A_85 = arith.muli %arg1, %mul3A_84 : i32
    %add3A_86 = arith.constant 384 : i32
    %add3A_87 = arith.addi %mul3A_85, %add3A_86 : i32
    "tpu.region"() ({
      %run_scoped3A = tpu.sem_alloc : memref<!tpu.dma_semaphore, #tpu.memory_space<semaphore_mem>>
      %dma_start3A = arith.constant 0 : i32
      %dma_start3A_151 = tpu.memref_slice %arg13[%add3A_87, %dma_start3A] : memref<10240x128xf32, #tpu.memory_space<vmem_shared>> -> memref<128x128xf32, #tpu.memory_space<vmem_shared>>
      %dma_start3A_152 = arith.constant 0 : i32
      %dma_start3A_153 = tpu.memref_slice %arg13[%add3A_87, %dma_start3A_152] : memref<10240x128xf32, #tpu.memory_space<vmem_shared>> -> memref<128x128xf32, #tpu.memory_space<vmem_shared>>
      tpu.enqueue_dma source(%arg11 : memref<128x128xf32, #tpu.memory_space<vmem>>) target(%dma_start3A_153 : memref<128x128xf32, #tpu.memory_space<vmem_shared>>) target_semaphore(%run_scoped3A : memref<!tpu.dma_semaphore, #tpu.memory_space<semaphore_mem>>)
      %dma_wait3A = arith.constant 0 : i32
      %dma_wait3A_154 = tpu.memref_slice %arg13[%add3A_87, %dma_wait3A] : memref<10240x128xf32, #tpu.memory_space<vmem_shared>> -> memref<128x128xf32, #tpu.memory_space<vmem_shared>>
      %dma_wait3A_155 = arith.constant 0 : i32
      %dma_wait3A_156 = tpu.memref_slice %arg13[%add3A_87, %dma_wait3A_155] : memref<10240x128xf32, #tpu.memory_space<vmem_shared>> -> memref<128x128xf32, #tpu.memory_space<vmem_shared>>
      tpu.wait_dma2 semaphore(%run_scoped3A : memref<!tpu.dma_semaphore, #tpu.memory_space<semaphore_mem>>) src(%arg11 : memref<128x128xf32, #tpu.memory_space<vmem>>) dst(%dma_wait3A_156 : memref<128x128xf32, #tpu.memory_space<vmem_shared>>)
      tpu.yield
    }) : () -> ()
    %mul3A_88 = arith.constant 640 : i32
    %mul3A_89 = arith.muli %arg1, %mul3A_88 : i32
    %add3A_90 = arith.constant 512 : i32
    %add3A_91 = arith.addi %mul3A_89, %add3A_90 : i32
    "tpu.region"() ({
      %run_scoped3A = tpu.sem_alloc : memref<!tpu.dma_semaphore, #tpu.memory_space<semaphore_mem>>
      %dma_start3A = arith.constant 0 : i32
      %dma_start3A_151 = tpu.memref_slice %arg13[%add3A_91, %dma_start3A] : memref<10240x128xf32, #tpu.memory_space<vmem_shared>> -> memref<128x128xf32, #tpu.memory_space<vmem_shared>>
      %dma_start3A_152 = arith.constant 0 : i32
      %dma_start3A_153 = tpu.memref_slice %arg13[%add3A_91, %dma_start3A_152] : memref<10240x128xf32, #tpu.memory_space<vmem_shared>> -> memref<128x128xf32, #tpu.memory_space<vmem_shared>>
      tpu.enqueue_dma source(%arg11 : memref<128x128xf32, #tpu.memory_space<vmem>>) target(%dma_start3A_153 : memref<128x128xf32, #tpu.memory_space<vmem_shared>>) target_semaphore(%run_scoped3A : memref<!tpu.dma_semaphore, #tpu.memory_space<semaphore_mem>>)
      %dma_wait3A = arith.constant 0 : i32
      %dma_wait3A_154 = tpu.memref_slice %arg13[%add3A_91, %dma_wait3A] : memref<10240x128xf32, #tpu.memory_space<vmem_shared>> -> memref<128x128xf32, #tpu.memory_space<vmem_shared>>
      %dma_wait3A_155 = arith.constant 0 : i32
      %dma_wait3A_156 = tpu.memref_slice %arg13[%add3A_91, %dma_wait3A_155] : memref<10240x128xf32, #tpu.memory_space<vmem_shared>> -> memref<128x128xf32, #tpu.memory_space<vmem_shared>>
      tpu.wait_dma2 semaphore(%run_scoped3A : memref<!tpu.dma_semaphore, #tpu.memory_space<semaphore_mem>>) src(%arg11 : memref<128x128xf32, #tpu.memory_space<vmem>>) dst(%dma_wait3A_156 : memref<128x128xf32, #tpu.memory_space<vmem_shared>>)
      tpu.yield
    }) : () -> ()
    "tpu.region"() ({
      %run_scoped3A = tpu.sem_alloc : memref<!tpu.dma_semaphore, #tpu.memory_space<semaphore_mem>>
      tpu.enqueue_dma source(%arg6 : memref<128x128xf32, #tpu.memory_space<hbm>>) target(%arg11 : memref<128x128xf32, #tpu.memory_space<vmem>>) target_semaphore(%run_scoped3A : memref<!tpu.dma_semaphore, #tpu.memory_space<semaphore_mem>>)
      tpu.wait_dma2 semaphore(%run_scoped3A : memref<!tpu.dma_semaphore, #tpu.memory_space<semaphore_mem>>) src(%arg6 : memref<128x128xf32, #tpu.memory_space<hbm>>) dst(%arg11 : memref<128x128xf32, #tpu.memory_space<vmem>>)
      tpu.yield
    }) : () -> ()
    %barrier3A_92 = arith.constant 0 : index
    tpu.barrier barrier_id(%barrier3A_92)
    %lt3A_93 = arith.constant 1 : i32
    %lt3A_94 = arith.cmpi slt, %arg1, %lt3A_93 : i32
    %jit3A_95 = arith.constant 1 : i32
    %jit3A_96 = arith.constant 0 : i32
    %select_n3A_97 = arith.select %lt3A_94, %jit3A_95, %jit3A_96 : i32
    %add3A_98 = arith.constant 39 : i32
    %add3A_99 = arith.addi %add3A_98, %select_n3A_97 : i32
    %while3A_100 = arith.constant 0 : i32
    %while3A_101 = arith.constant 0 : i32
    %while3A_102 = arith.subi %add3A_99, %while3A_101 : i32
    %while3A_103 = arith.addi %while3A_101, %while3A_102 : i32
    %while3A_104 = arith.constant 1 : i32
    %while3A_105 = arith.divsi %while3A_102, %while3A_104 : i32
    %while3A_106 = arith.muli %while3A_105, %while3A_104 : i32
    %while3A_107 = arith.addi %while3A_101, %while3A_106 : i32
    %while3A_108 = arith.constant 1 : i32
    scf.for %while3A_151 = %while3A_101 to %while3A_107 step %while3A_108  : i32 {
      %mul3A_152 = arith.constant 16 : i32
      %mul3A_153 = arith.muli %while3A_151, %mul3A_152 : i32
      %add3A_154 = arith.addi %mul3A_153, %arg1 : i32
      %mul3A_155 = arith.constant 2 : i32
      %mul3A_156 = arith.muli %mul3A_155, %add3A_154 : i32
      %add3A_157 = arith.addi %mul3A_156, %arg0 : i32
      %mul3A_158 = arith.constant 128 : i32
      %mul3A_159 = arith.muli %add3A_157, %mul3A_158 : i32
      "tpu.region"() ({
        %run_scoped3A = tpu.sem_alloc : memref<!tpu.dma_semaphore, #tpu.memory_space<semaphore_mem>>
        %dma_start3A = tpu.memref_slice %arg2[%mul3A_159] : memref<160000xi32, #tpu.memory_space<hbm>> -> memref<128xi32, #tpu.memory_space<hbm>>
        %dma_start3A_160 = tpu.memref_slice %arg2[%mul3A_159] : memref<160000xi32, #tpu.memory_space<hbm>> -> memref<128xi32, #tpu.memory_space<hbm>>
        tpu.enqueue_dma source(%dma_start3A_160 : memref<128xi32, #tpu.memory_space<hbm>>) target(%arg9 : memref<128xi32, #tpu.memory_space<vmem>>) target_semaphore(%run_scoped3A : memref<!tpu.dma_semaphore, #tpu.memory_space<semaphore_mem>>)
        %dma_wait3A = tpu.memref_slice %arg2[%mul3A_159] : memref<160000xi32, #tpu.memory_space<hbm>> -> memref<128xi32, #tpu.memory_space<hbm>>
        %dma_wait3A_161 = tpu.memref_slice %arg2[%mul3A_159] : memref<160000xi32, #tpu.memory_space<hbm>> -> memref<128xi32, #tpu.memory_space<hbm>>
        tpu.wait_dma2 semaphore(%run_scoped3A : memref<!tpu.dma_semaphore, #tpu.memory_space<semaphore_mem>>) src(%dma_wait3A_161 : memref<128xi32, #tpu.memory_space<hbm>>) dst(%arg9 : memref<128xi32, #tpu.memory_space<vmem>>)
        tpu.yield
      }) : () -> ()
      "tpu.region"() ({
        %run_scoped3A = tpu.sem_alloc : memref<!tpu.dma_semaphore, #tpu.memory_space<semaphore_mem>>
        %dma_start3A = arith.constant 0 : i32
        %dma_start3A_160 = arith.constant 0 : i32
        %dma_start3A_161 = tpu.memref_slice %arg13[%dma_start3A, %dma_start3A_160] : memref<10240x128xf32, #tpu.memory_space<vmem_shared>> -> memref<10240x128xf32, #tpu.memory_space<vmem_shared>>
        tpu.enqueue_indirect_dma source(%arg11 : memref<128x128xf32, #tpu.memory_space<vmem>>) target(%dma_start3A_161 : memref<10240x128xf32, #tpu.memory_space<vmem_shared>>) offsets(%arg9 : memref<128xi32, #tpu.memory_space<vmem>>) semaphore(%run_scoped3A : memref<!tpu.dma_semaphore, #tpu.memory_space<semaphore_mem>>) {add = true}
        %dma_wait3A = arith.constant 0 : i32
        %dma_wait3A_162 = arith.constant 0 : i32
        %dma_wait3A_163 = tpu.memref_slice %arg13[%dma_wait3A, %dma_wait3A_162] : memref<10240x128xf32, #tpu.memory_space<vmem_shared>> -> memref<10240x128xf32, #tpu.memory_space<vmem_shared>>
        tpu.wait_indirect_dma semaphore(%run_scoped3A : memref<!tpu.dma_semaphore, #tpu.memory_space<semaphore_mem>>) src(%arg11 : memref<128x128xf32, #tpu.memory_space<vmem>>) dst(%dma_wait3A_163 : memref<10240x128xf32, #tpu.memory_space<vmem_shared>>)
        tpu.yield
      }) : () -> ()
    }
    %while3A_109 = arith.constant 1 : i32
    scf.for %while3A_151 = %while3A_107 to %while3A_103 step %while3A_109  : i32 {
      %mul3A_152 = arith.constant 16 : i32
      %mul3A_153 = arith.muli %while3A_151, %mul3A_152 : i32
      %add3A_154 = arith.addi %mul3A_153, %arg1 : i32
      %mul3A_155 = arith.constant 2 : i32
      %mul3A_156 = arith.muli %mul3A_155, %add3A_154 : i32
      %add3A_157 = arith.addi %mul3A_156, %arg0 : i32
      %mul3A_158 = arith.constant 128 : i32
      %mul3A_159 = arith.muli %add3A_157, %mul3A_158 : i32
      "tpu.region"() ({
        %run_scoped3A = tpu.sem_alloc : memref<!tpu.dma_semaphore, #tpu.memory_space<semaphore_mem>>
        %dma_start3A = tpu.memref_slice %arg2[%mul3A_159] : memref<160000xi32, #tpu.memory_space<hbm>> -> memref<128xi32, #tpu.memory_space<hbm>>
        %dma_start3A_160 = tpu.memref_slice %arg2[%mul3A_159] : memref<160000xi32, #tpu.memory_space<hbm>> -> memref<128xi32, #tpu.memory_space<hbm>>
        tpu.enqueue_dma source(%dma_start3A_160 : memref<128xi32, #tpu.memory_space<hbm>>) target(%arg9 : memref<128xi32, #tpu.memory_space<vmem>>) target_semaphore(%run_scoped3A : memref<!tpu.dma_semaphore, #tpu.memory_space<semaphore_mem>>)
        %dma_wait3A = tpu.memref_slice %arg2[%mul3A_159] : memref<160000xi32, #tpu.memory_space<hbm>> -> memref<128xi32, #tpu.memory_space<hbm>>
        %dma_wait3A_161 = tpu.memref_slice %arg2[%mul3A_159] : memref<160000xi32, #tpu.memory_space<hbm>> -> memref<128xi32, #tpu.memory_space<hbm>>
        tpu.wait_dma2 semaphore(%run_scoped3A : memref<!tpu.dma_semaphore, #tpu.memory_space<semaphore_mem>>) src(%dma_wait3A_161 : memref<128xi32, #tpu.memory_space<hbm>>) dst(%arg9 : memref<128xi32, #tpu.memory_space<vmem>>)
        tpu.yield
      }) : () -> ()
      "tpu.region"() ({
        %run_scoped3A = tpu.sem_alloc : memref<!tpu.dma_semaphore, #tpu.memory_space<semaphore_mem>>
        %dma_start3A = arith.constant 0 : i32
        %dma_start3A_160 = arith.constant 0 : i32
        %dma_start3A_161 = tpu.memref_slice %arg13[%dma_start3A, %dma_start3A_160] : memref<10240x128xf32, #tpu.memory_space<vmem_shared>> -> memref<10240x128xf32, #tpu.memory_space<vmem_shared>>
        tpu.enqueue_indirect_dma source(%arg11 : memref<128x128xf32, #tpu.memory_space<vmem>>) target(%dma_start3A_161 : memref<10240x128xf32, #tpu.memory_space<vmem_shared>>) offsets(%arg9 : memref<128xi32, #tpu.memory_space<vmem>>) semaphore(%run_scoped3A : memref<!tpu.dma_semaphore, #tpu.memory_space<semaphore_mem>>) {add = true}
        %dma_wait3A = arith.constant 0 : i32
        %dma_wait3A_162 = arith.constant 0 : i32
        %dma_wait3A_163 = tpu.memref_slice %arg13[%dma_wait3A, %dma_wait3A_162] : memref<10240x128xf32, #tpu.memory_space<vmem_shared>> -> memref<10240x128xf32, #tpu.memory_space<vmem_shared>>
        tpu.wait_indirect_dma semaphore(%run_scoped3A : memref<!tpu.dma_semaphore, #tpu.memory_space<semaphore_mem>>) src(%arg11 : memref<128x128xf32, #tpu.memory_space<vmem>>) dst(%dma_wait3A_163 : memref<10240x128xf32, #tpu.memory_space<vmem_shared>>)
        tpu.yield
      }) : () -> ()
    }
    %barrier3A_110 = arith.constant 0 : index
    tpu.barrier barrier_id(%barrier3A_110)
    %mul3A_111 = arith.constant 640 : i32
    %mul3A_112 = arith.muli %arg1, %mul3A_111 : i32
    %add3A_113 = arith.constant 0 : i32
    %add3A_114 = arith.addi %mul3A_112, %add3A_113 : i32
    "tpu.region"() ({
      %run_scoped3A = tpu.sem_alloc : memref<!tpu.dma_semaphore, #tpu.memory_space<semaphore_mem>>
      %dma_start3A = arith.constant 0 : i32
      %dma_start3A_151 = tpu.memref_slice %arg13[%add3A_114, %dma_start3A] : memref<10240x128xf32, #tpu.memory_space<vmem_shared>> -> memref<128x128xf32, #tpu.memory_space<vmem_shared>>
      %dma_start3A_152 = arith.constant 0 : i32
      %dma_start3A_153 = tpu.memref_slice %arg13[%add3A_114, %dma_start3A_152] : memref<10240x128xf32, #tpu.memory_space<vmem_shared>> -> memref<128x128xf32, #tpu.memory_space<vmem_shared>>
      tpu.enqueue_dma source(%dma_start3A_153 : memref<128x128xf32, #tpu.memory_space<vmem_shared>>) target(%arg11 : memref<128x128xf32, #tpu.memory_space<vmem>>) target_semaphore(%run_scoped3A : memref<!tpu.dma_semaphore, #tpu.memory_space<semaphore_mem>>)
      %dma_wait3A = arith.constant 0 : i32
      %dma_wait3A_154 = tpu.memref_slice %arg13[%add3A_114, %dma_wait3A] : memref<10240x128xf32, #tpu.memory_space<vmem_shared>> -> memref<128x128xf32, #tpu.memory_space<vmem_shared>>
      %dma_wait3A_155 = arith.constant 0 : i32
      %dma_wait3A_156 = tpu.memref_slice %arg13[%add3A_114, %dma_wait3A_155] : memref<10240x128xf32, #tpu.memory_space<vmem_shared>> -> memref<128x128xf32, #tpu.memory_space<vmem_shared>>
      tpu.wait_dma2 semaphore(%run_scoped3A : memref<!tpu.dma_semaphore, #tpu.memory_space<semaphore_mem>>) src(%dma_wait3A_156 : memref<128x128xf32, #tpu.memory_space<vmem_shared>>) dst(%arg11 : memref<128x128xf32, #tpu.memory_space<vmem>>)
      tpu.yield
    }) : () -> ()
    %mul3A_115 = arith.constant 640 : i32
    %mul3A_116 = arith.muli %arg1, %mul3A_115 : i32
    %add3A_117 = arith.constant 0 : i32
    %add3A_118 = arith.addi %mul3A_116, %add3A_117 : i32
    "tpu.region"() ({
      %run_scoped3A = tpu.sem_alloc : memref<!tpu.dma_semaphore, #tpu.memory_space<semaphore_mem>>
      %dma_start3A = arith.constant 0 : i32
      %dma_start3A_151 = tpu.memref_slice %arg8[%arg0, %add3A_118, %dma_start3A] : memref<2x10240x128xf32, #tpu.memory_space<hbm>> -> memref<1x128x128xf32, #tpu.memory_space<hbm>>
      %dma_start3A_152 = tpu.memref_squeeze %dma_start3A_151 : memref<1x128x128xf32, #tpu.memory_space<hbm>> -> memref<128x128xf32, #tpu.memory_space<hbm>>
      %dma_start3A_153 = arith.constant 0 : i32
      %dma_start3A_154 = tpu.memref_slice %arg8[%arg0, %add3A_118, %dma_start3A_153] : memref<2x10240x128xf32, #tpu.memory_space<hbm>> -> memref<1x128x128xf32, #tpu.memory_space<hbm>>
      %dma_start3A_155 = tpu.memref_squeeze %dma_start3A_154 : memref<1x128x128xf32, #tpu.memory_space<hbm>> -> memref<128x128xf32, #tpu.memory_space<hbm>>
      tpu.enqueue_dma source(%arg11 : memref<128x128xf32, #tpu.memory_space<vmem>>) target(%dma_start3A_155 : memref<128x128xf32, #tpu.memory_space<hbm>>) target_semaphore(%run_scoped3A : memref<!tpu.dma_semaphore, #tpu.memory_space<semaphore_mem>>)
      %dma_wait3A = arith.constant 0 : i32
      %dma_wait3A_156 = tpu.memref_slice %arg8[%arg0, %add3A_118, %dma_wait3A] : memref<2x10240x128xf32, #tpu.memory_space<hbm>> -> memref<1x128x128xf32, #tpu.memory_space<hbm>>
      %dma_wait3A_157 = tpu.memref_squeeze %dma_wait3A_156 : memref<1x128x128xf32, #tpu.memory_space<hbm>> -> memref<128x128xf32, #tpu.memory_space<hbm>>
      %dma_wait3A_158 = arith.constant 0 : i32
      %dma_wait3A_159 = tpu.memref_slice %arg8[%arg0, %add3A_118, %dma_wait3A_158] : memref<2x10240x128xf32, #tpu.memory_space<hbm>> -> memref<1x128x128xf32, #tpu.memory_space<hbm>>
      %dma_wait3A_160 = tpu.memref_squeeze %dma_wait3A_159 : memref<1x128x128xf32, #tpu.memory_space<hbm>> -> memref<128x128xf32, #tpu.memory_space<hbm>>
      tpu.wait_dma2 semaphore(%run_scoped3A : memref<!tpu.dma_semaphore, #tpu.memory_space<semaphore_mem>>) src(%arg11 : memref<128x128xf32, #tpu.memory_space<vmem>>) dst(%dma_wait3A_160 : memref<128x128xf32, #tpu.memory_space<hbm>>)
      tpu.yield
    }) : () -> ()
    %mul3A_119 = arith.constant 640 : i32
    %mul3A_120 = arith.muli %arg1, %mul3A_119 : i32
    %add3A_121 = arith.constant 128 : i32
    %add3A_122 = arith.addi %mul3A_120, %add3A_121 : i32
    "tpu.region"() ({
      %run_scoped3A = tpu.sem_alloc : memref<!tpu.dma_semaphore, #tpu.memory_space<semaphore_mem>>
      %dma_start3A = arith.constant 0 : i32
      %dma_start3A_151 = tpu.memref_slice %arg13[%add3A_122, %dma_start3A] : memref<10240x128xf32, #tpu.memory_space<vmem_shared>> -> memref<128x128xf32, #tpu.memory_space<vmem_shared>>
      %dma_start3A_152 = arith.constant 0 : i32
      %dma_start3A_153 = tpu.memref_slice %arg13[%add3A_122, %dma_start3A_152] : memref<10240x128xf32, #tpu.memory_space<vmem_shared>> -> memref<128x128xf32, #tpu.memory_space<vmem_shared>>
      tpu.enqueue_dma source(%dma_start3A_153 : memref<128x128xf32, #tpu.memory_space<vmem_shared>>) target(%arg11 : memref<128x128xf32, #tpu.memory_space<vmem>>) target_semaphore(%run_scoped3A : memref<!tpu.dma_semaphore, #tpu.memory_space<semaphore_mem>>)
      %dma_wait3A = arith.constant 0 : i32
      %dma_wait3A_154 = tpu.memref_slice %arg13[%add3A_122, %dma_wait3A] : memref<10240x128xf32, #tpu.memory_space<vmem_shared>> -> memref<128x128xf32, #tpu.memory_space<vmem_shared>>
      %dma_wait3A_155 = arith.constant 0 : i32
      %dma_wait3A_156 = tpu.memref_slice %arg13[%add3A_122, %dma_wait3A_155] : memref<10240x128xf32, #tpu.memory_space<vmem_shared>> -> memref<128x128xf32, #tpu.memory_space<vmem_shared>>
      tpu.wait_dma2 semaphore(%run_scoped3A : memref<!tpu.dma_semaphore, #tpu.memory_space<semaphore_mem>>) src(%dma_wait3A_156 : memref<128x128xf32, #tpu.memory_space<vmem_shared>>) dst(%arg11 : memref<128x128xf32, #tpu.memory_space<vmem>>)
      tpu.yield
    }) : () -> ()
    %mul3A_123 = arith.constant 640 : i32
    %mul3A_124 = arith.muli %arg1, %mul3A_123 : i32
    %add3A_125 = arith.constant 128 : i32
    %add3A_126 = arith.addi %mul3A_124, %add3A_125 : i32
    "tpu.region"() ({
      %run_scoped3A = tpu.sem_alloc : memref<!tpu.dma_semaphore, #tpu.memory_space<semaphore_mem>>
      %dma_start3A = arith.constant 0 : i32
      %dma_start3A_151 = tpu.memref_slice %arg8[%arg0, %add3A_126, %dma_start3A] : memref<2x10240x128xf32, #tpu.memory_space<hbm>> -> memref<1x128x128xf32, #tpu.memory_space<hbm>>
      %dma_start3A_152 = tpu.memref_squeeze %dma_start3A_151 : memref<1x128x128xf32, #tpu.memory_space<hbm>> -> memref<128x128xf32, #tpu.memory_space<hbm>>
      %dma_start3A_153 = arith.constant 0 : i32
      %dma_start3A_154 = tpu.memref_slice %arg8[%arg0, %add3A_126, %dma_start3A_153] : memref<2x10240x128xf32, #tpu.memory_space<hbm>> -> memref<1x128x128xf32, #tpu.memory_space<hbm>>
      %dma_start3A_155 = tpu.memref_squeeze %dma_start3A_154 : memref<1x128x128xf32, #tpu.memory_space<hbm>> -> memref<128x128xf32, #tpu.memory_space<hbm>>
      tpu.enqueue_dma source(%arg11 : memref<128x128xf32, #tpu.memory_space<vmem>>) target(%dma_start3A_155 : memref<128x128xf32, #tpu.memory_space<hbm>>) target_semaphore(%run_scoped3A : memref<!tpu.dma_semaphore, #tpu.memory_space<semaphore_mem>>)
      %dma_wait3A = arith.constant 0 : i32
      %dma_wait3A_156 = tpu.memref_slice %arg8[%arg0, %add3A_126, %dma_wait3A] : memref<2x10240x128xf32, #tpu.memory_space<hbm>> -> memref<1x128x128xf32, #tpu.memory_space<hbm>>
      %dma_wait3A_157 = tpu.memref_squeeze %dma_wait3A_156 : memref<1x128x128xf32, #tpu.memory_space<hbm>> -> memref<128x128xf32, #tpu.memory_space<hbm>>
      %dma_wait3A_158 = arith.constant 0 : i32
      %dma_wait3A_159 = tpu.memref_slice %arg8[%arg0, %add3A_126, %dma_wait3A_158] : memref<2x10240x128xf32, #tpu.memory_space<hbm>> -> memref<1x128x128xf32, #tpu.memory_space<hbm>>
      %dma_wait3A_160 = tpu.memref_squeeze %dma_wait3A_159 : memref<1x128x128xf32, #tpu.memory_space<hbm>> -> memref<128x128xf32, #tpu.memory_space<hbm>>
      tpu.wait_dma2 semaphore(%run_scoped3A : memref<!tpu.dma_semaphore, #tpu.memory_space<semaphore_mem>>) src(%arg11 : memref<128x128xf32, #tpu.memory_space<vmem>>) dst(%dma_wait3A_160 : memref<128x128xf32, #tpu.memory_space<hbm>>)
      tpu.yield
    }) : () -> ()
    %mul3A_127 = arith.constant 640 : i32
    %mul3A_128 = arith.muli %arg1, %mul3A_127 : i32
    %add3A_129 = arith.constant 256 : i32
    %add3A_130 = arith.addi %mul3A_128, %add3A_129 : i32
    "tpu.region"() ({
      %run_scoped3A = tpu.sem_alloc : memref<!tpu.dma_semaphore, #tpu.memory_space<semaphore_mem>>
      %dma_start3A = arith.constant 0 : i32
      %dma_start3A_151 = tpu.memref_slice %arg13[%add3A_130, %dma_start3A] : memref<10240x128xf32, #tpu.memory_space<vmem_shared>> -> memref<128x128xf32, #tpu.memory_space<vmem_shared>>
      %dma_start3A_152 = arith.constant 0 : i32
      %dma_start3A_153 = tpu.memref_slice %arg13[%add3A_130, %dma_start3A_152] : memref<10240x128xf32, #tpu.memory_space<vmem_shared>> -> memref<128x128xf32, #tpu.memory_space<vmem_shared>>
      tpu.enqueue_dma source(%dma_start3A_153 : memref<128x128xf32, #tpu.memory_space<vmem_shared>>) target(%arg11 : memref<128x128xf32, #tpu.memory_space<vmem>>) target_semaphore(%run_scoped3A : memref<!tpu.dma_semaphore, #tpu.memory_space<semaphore_mem>>)
      %dma_wait3A = arith.constant 0 : i32
      %dma_wait3A_154 = tpu.memref_slice %arg13[%add3A_130, %dma_wait3A] : memref<10240x128xf32, #tpu.memory_space<vmem_shared>> -> memref<128x128xf32, #tpu.memory_space<vmem_shared>>
      %dma_wait3A_155 = arith.constant 0 : i32
      %dma_wait3A_156 = tpu.memref_slice %arg13[%add3A_130, %dma_wait3A_155] : memref<10240x128xf32, #tpu.memory_space<vmem_shared>> -> memref<128x128xf32, #tpu.memory_space<vmem_shared>>
      tpu.wait_dma2 semaphore(%run_scoped3A : memref<!tpu.dma_semaphore, #tpu.memory_space<semaphore_mem>>) src(%dma_wait3A_156 : memref<128x128xf32, #tpu.memory_space<vmem_shared>>) dst(%arg11 : memref<128x128xf32, #tpu.memory_space<vmem>>)
      tpu.yield
    }) : () -> ()
    %mul3A_131 = arith.constant 640 : i32
    %mul3A_132 = arith.muli %arg1, %mul3A_131 : i32
    %add3A_133 = arith.constant 256 : i32
    %add3A_134 = arith.addi %mul3A_132, %add3A_133 : i32
    "tpu.region"() ({
      %run_scoped3A = tpu.sem_alloc : memref<!tpu.dma_semaphore, #tpu.memory_space<semaphore_mem>>
      %dma_start3A = arith.constant 0 : i32
      %dma_start3A_151 = tpu.memref_slice %arg8[%arg0, %add3A_134, %dma_start3A] : memref<2x10240x128xf32, #tpu.memory_space<hbm>> -> memref<1x128x128xf32, #tpu.memory_space<hbm>>
      %dma_start3A_152 = tpu.memref_squeeze %dma_start3A_151 : memref<1x128x128xf32, #tpu.memory_space<hbm>> -> memref<128x128xf32, #tpu.memory_space<hbm>>
      %dma_start3A_153 = arith.constant 0 : i32
      %dma_start3A_154 = tpu.memref_slice %arg8[%arg0, %add3A_134, %dma_start3A_153] : memref<2x10240x128xf32, #tpu.memory_space<hbm>> -> memref<1x128x128xf32, #tpu.memory_space<hbm>>
      %dma_start3A_155 = tpu.memref_squeeze %dma_start3A_154 : memref<1x128x128xf32, #tpu.memory_space<hbm>> -> memref<128x128xf32, #tpu.memory_space<hbm>>
      tpu.enqueue_dma source(%arg11 : memref<128x128xf32, #tpu.memory_space<vmem>>) target(%dma_start3A_155 : memref<128x128xf32, #tpu.memory_space<hbm>>) target_semaphore(%run_scoped3A : memref<!tpu.dma_semaphore, #tpu.memory_space<semaphore_mem>>)
      %dma_wait3A = arith.constant 0 : i32
      %dma_wait3A_156 = tpu.memref_slice %arg8[%arg0, %add3A_134, %dma_wait3A] : memref<2x10240x128xf32, #tpu.memory_space<hbm>> -> memref<1x128x128xf32, #tpu.memory_space<hbm>>
      %dma_wait3A_157 = tpu.memref_squeeze %dma_wait3A_156 : memref<1x128x128xf32, #tpu.memory_space<hbm>> -> memref<128x128xf32, #tpu.memory_space<hbm>>
      %dma_wait3A_158 = arith.constant 0 : i32
      %dma_wait3A_159 = tpu.memref_slice %arg8[%arg0, %add3A_134, %dma_wait3A_158] : memref<2x10240x128xf32, #tpu.memory_space<hbm>> -> memref<1x128x128xf32, #tpu.memory_space<hbm>>
      %dma_wait3A_160 = tpu.memref_squeeze %dma_wait3A_159 : memref<1x128x128xf32, #tpu.memory_space<hbm>> -> memref<128x128xf32, #tpu.memory_space<hbm>>
      tpu.wait_dma2 semaphore(%run_scoped3A : memref<!tpu.dma_semaphore, #tpu.memory_space<semaphore_mem>>) src(%arg11 : memref<128x128xf32, #tpu.memory_space<vmem>>) dst(%dma_wait3A_160 : memref<128x128xf32, #tpu.memory_space<hbm>>)
      tpu.yield
    }) : () -> ()
    %mul3A_135 = arith.constant 640 : i32
    %mul3A_136 = arith.muli %arg1, %mul3A_135 : i32
    %add3A_137 = arith.constant 384 : i32
    %add3A_138 = arith.addi %mul3A_136, %add3A_137 : i32
    "tpu.region"() ({
      %run_scoped3A = tpu.sem_alloc : memref<!tpu.dma_semaphore, #tpu.memory_space<semaphore_mem>>
      %dma_start3A = arith.constant 0 : i32
      %dma_start3A_151 = tpu.memref_slice %arg13[%add3A_138, %dma_start3A] : memref<10240x128xf32, #tpu.memory_space<vmem_shared>> -> memref<128x128xf32, #tpu.memory_space<vmem_shared>>
      %dma_start3A_152 = arith.constant 0 : i32
      %dma_start3A_153 = tpu.memref_slice %arg13[%add3A_138, %dma_start3A_152] : memref<10240x128xf32, #tpu.memory_space<vmem_shared>> -> memref<128x128xf32, #tpu.memory_space<vmem_shared>>
      tpu.enqueue_dma source(%dma_start3A_153 : memref<128x128xf32, #tpu.memory_space<vmem_shared>>) target(%arg11 : memref<128x128xf32, #tpu.memory_space<vmem>>) target_semaphore(%run_scoped3A : memref<!tpu.dma_semaphore, #tpu.memory_space<semaphore_mem>>)
      %dma_wait3A = arith.constant 0 : i32
      %dma_wait3A_154 = tpu.memref_slice %arg13[%add3A_138, %dma_wait3A] : memref<10240x128xf32, #tpu.memory_space<vmem_shared>> -> memref<128x128xf32, #tpu.memory_space<vmem_shared>>
      %dma_wait3A_155 = arith.constant 0 : i32
      %dma_wait3A_156 = tpu.memref_slice %arg13[%add3A_138, %dma_wait3A_155] : memref<10240x128xf32, #tpu.memory_space<vmem_shared>> -> memref<128x128xf32, #tpu.memory_space<vmem_shared>>
      tpu.wait_dma2 semaphore(%run_scoped3A : memref<!tpu.dma_semaphore, #tpu.memory_space<semaphore_mem>>) src(%dma_wait3A_156 : memref<128x128xf32, #tpu.memory_space<vmem_shared>>) dst(%arg11 : memref<128x128xf32, #tpu.memory_space<vmem>>)
      tpu.yield
    }) : () -> ()
    %mul3A_139 = arith.constant 640 : i32
    %mul3A_140 = arith.muli %arg1, %mul3A_139 : i32
    %add3A_141 = arith.constant 384 : i32
    %add3A_142 = arith.addi %mul3A_140, %add3A_141 : i32
    "tpu.region"() ({
      %run_scoped3A = tpu.sem_alloc : memref<!tpu.dma_semaphore, #tpu.memory_space<semaphore_mem>>
      %dma_start3A = arith.constant 0 : i32
      %dma_start3A_151 = tpu.memref_slice %arg8[%arg0, %add3A_142, %dma_start3A] : memref<2x10240x128xf32, #tpu.memory_space<hbm>> -> memref<1x128x128xf32, #tpu.memory_space<hbm>>
      %dma_start3A_152 = tpu.memref_squeeze %dma_start3A_151 : memref<1x128x128xf32, #tpu.memory_space<hbm>> -> memref<128x128xf32, #tpu.memory_space<hbm>>
      %dma_start3A_153 = arith.constant 0 : i32
      %dma_start3A_154 = tpu.memref_slice %arg8[%arg0, %add3A_142, %dma_start3A_153] : memref<2x10240x128xf32, #tpu.memory_space<hbm>> -> memref<1x128x128xf32, #tpu.memory_space<hbm>>
      %dma_start3A_155 = tpu.memref_squeeze %dma_start3A_154 : memref<1x128x128xf32, #tpu.memory_space<hbm>> -> memref<128x128xf32, #tpu.memory_space<hbm>>
      tpu.enqueue_dma source(%arg11 : memref<128x128xf32, #tpu.memory_space<vmem>>) target(%dma_start3A_155 : memref<128x128xf32, #tpu.memory_space<hbm>>) target_semaphore(%run_scoped3A : memref<!tpu.dma_semaphore, #tpu.memory_space<semaphore_mem>>)
      %dma_wait3A = arith.constant 0 : i32
      %dma_wait3A_156 = tpu.memref_slice %arg8[%arg0, %add3A_142, %dma_wait3A] : memref<2x10240x128xf32, #tpu.memory_space<hbm>> -> memref<1x128x128xf32, #tpu.memory_space<hbm>>
      %dma_wait3A_157 = tpu.memref_squeeze %dma_wait3A_156 : memref<1x128x128xf32, #tpu.memory_space<hbm>> -> memref<128x128xf32, #tpu.memory_space<hbm>>
      %dma_wait3A_158 = arith.constant 0 : i32
      %dma_wait3A_159 = tpu.memref_slice %arg8[%arg0, %add3A_142, %dma_wait3A_158] : memref<2x10240x128xf32, #tpu.memory_space<hbm>> -> memref<1x128x128xf32, #tpu.memory_space<hbm>>
      %dma_wait3A_160 = tpu.memref_squeeze %dma_wait3A_159 : memref<1x128x128xf32, #tpu.memory_space<hbm>> -> memref<128x128xf32, #tpu.memory_space<hbm>>
      tpu.wait_dma2 semaphore(%run_scoped3A : memref<!tpu.dma_semaphore, #tpu.memory_space<semaphore_mem>>) src(%arg11 : memref<128x128xf32, #tpu.memory_space<vmem>>) dst(%dma_wait3A_160 : memref<128x128xf32, #tpu.memory_space<hbm>>)
      tpu.yield
    }) : () -> ()
    %mul3A_143 = arith.constant 640 : i32
    %mul3A_144 = arith.muli %arg1, %mul3A_143 : i32
    %add3A_145 = arith.constant 512 : i32
    %add3A_146 = arith.addi %mul3A_144, %add3A_145 : i32
    "tpu.region"() ({
      %run_scoped3A = tpu.sem_alloc : memref<!tpu.dma_semaphore, #tpu.memory_space<semaphore_mem>>
      %dma_start3A = arith.constant 0 : i32
      %dma_start3A_151 = tpu.memref_slice %arg13[%add3A_146, %dma_start3A] : memref<10240x128xf32, #tpu.memory_space<vmem_shared>> -> memref<128x128xf32, #tpu.memory_space<vmem_shared>>
      %dma_start3A_152 = arith.constant 0 : i32
      %dma_start3A_153 = tpu.memref_slice %arg13[%add3A_146, %dma_start3A_152] : memref<10240x128xf32, #tpu.memory_space<vmem_shared>> -> memref<128x128xf32, #tpu.memory_space<vmem_shared>>
      tpu.enqueue_dma source(%dma_start3A_153 : memref<128x128xf32, #tpu.memory_space<vmem_shared>>) target(%arg11 : memref<128x128xf32, #tpu.memory_space<vmem>>) target_semaphore(%run_scoped3A : memref<!tpu.dma_semaphore, #tpu.memory_space<semaphore_mem>>)
      %dma_wait3A = arith.constant 0 : i32
      %dma_wait3A_154 = tpu.memref_slice %arg13[%add3A_146, %dma_wait3A] : memref<10240x128xf32, #tpu.memory_space<vmem_shared>> -> memref<128x128xf32, #tpu.memory_space<vmem_shared>>
      %dma_wait3A_155 = arith.constant 0 : i32
      %dma_wait3A_156 = tpu.memref_slice %arg13[%add3A_146, %dma_wait3A_155] : memref<10240x128xf32, #tpu.memory_space<vmem_shared>> -> memref<128x128xf32, #tpu.memory_space<vmem_shared>>
      tpu.wait_dma2 semaphore(%run_scoped3A : memref<!tpu.dma_semaphore, #tpu.memory_space<semaphore_mem>>) src(%dma_wait3A_156 : memref<128x128xf32, #tpu.memory_space<vmem_shared>>) dst(%arg11 : memref<128x128xf32, #tpu.memory_space<vmem>>)
      tpu.yield
    }) : () -> ()
    %mul3A_147 = arith.constant 640 : i32
    %mul3A_148 = arith.muli %arg1, %mul3A_147 : i32
    %add3A_149 = arith.constant 512 : i32
    %add3A_150 = arith.addi %mul3A_148, %add3A_149 : i32
    "tpu.region"() ({
      %run_scoped3A = tpu.sem_alloc : memref<!tpu.dma_semaphore, #tpu.memory_space<semaphore_mem>>
      %dma_start3A = arith.constant 0 : i32
      %dma_start3A_151 = tpu.memref_slice %arg8[%arg0, %add3A_150, %dma_start3A] : memref<2x10240x128xf32, #tpu.memory_space<hbm>> -> memref<1x128x128xf32, #tpu.memory_space<hbm>>
      %dma_start3A_152 = tpu.memref_squeeze %dma_start3A_151 : memref<1x128x128xf32, #tpu.memory_space<hbm>> -> memref<128x128xf32, #tpu.memory_space<hbm>>
      %dma_start3A_153 = arith.constant 0 : i32
      %dma_start3A_154 = tpu.memref_slice %arg8[%arg0, %add3A_150, %dma_start3A_153] : memref<2x10240x128xf32, #tpu.memory_space<hbm>> -> memref<1x128x128xf32, #tpu.memory_space<hbm>>
      %dma_start3A_155 = tpu.memref_squeeze %dma_start3A_154 : memref<1x128x128xf32, #tpu.memory_space<hbm>> -> memref<128x128xf32, #tpu.memory_space<hbm>>
      tpu.enqueue_dma source(%arg11 : memref<128x128xf32, #tpu.memory_space<vmem>>) target(%dma_start3A_155 : memref<128x128xf32, #tpu.memory_space<hbm>>) target_semaphore(%run_scoped3A : memref<!tpu.dma_semaphore, #tpu.memory_space<semaphore_mem>>)
      %dma_wait3A = arith.constant 0 : i32
      %dma_wait3A_156 = tpu.memref_slice %arg8[%arg0, %add3A_150, %dma_wait3A] : memref<2x10240x128xf32, #tpu.memory_space<hbm>> -> memref<1x128x128xf32, #tpu.memory_space<hbm>>
      %dma_wait3A_157 = tpu.memref_squeeze %dma_wait3A_156 : memref<1x128x128xf32, #tpu.memory_space<hbm>> -> memref<128x128xf32, #tpu.memory_space<hbm>>
      %dma_wait3A_158 = arith.constant 0 : i32
      %dma_wait3A_159 = tpu.memref_slice %arg8[%arg0, %add3A_150, %dma_wait3A_158] : memref<2x10240x128xf32, #tpu.memory_space<hbm>> -> memref<1x128x128xf32, #tpu.memory_space<hbm>>
      %dma_wait3A_160 = tpu.memref_squeeze %dma_wait3A_159 : memref<1x128x128xf32, #tpu.memory_space<hbm>> -> memref<128x128xf32, #tpu.memory_space<hbm>>
      tpu.wait_dma2 semaphore(%run_scoped3A : memref<!tpu.dma_semaphore, #tpu.memory_space<semaphore_mem>>) src(%arg11 : memref<128x128xf32, #tpu.memory_space<vmem>>) dst(%dma_wait3A_160 : memref<128x128xf32, #tpu.memory_space<hbm>>)
      tpu.yield
    }) : () -> ()
    return
  }
}

module attributes {stable_mosaic.version = 14 : i64} {
  func.func @_mlp_tc(%arg0: i32, %arg1: memref<2000x256xf32, #tpu.memory_space<vmem>>, %arg2: memref<2x2000x128xf32, #tpu.memory_space<vmem>>, %arg3: memref<2x2000x128xf32, #tpu.memory_space<vmem>>, %arg4: memref<256x512xf32, #tpu.memory_space<vmem>>, %arg5: memref<256x256xf32, #tpu.memory_space<vmem>>, %arg6: memref<256x256xf32, #tpu.memory_space<vmem>>, %arg7: memref<1x256xf32, #tpu.memory_space<vmem>>, %arg8: memref<1x256xf32, #tpu.memory_space<vmem>>, %arg9: memref<1x256xf32, #tpu.memory_space<vmem>>, %arg10: memref<2000x256xf32, #tpu.memory_space<vmem>>) attributes {dimension_semantics = [#tpu.dimension_semantics<arbitrary>], iteration_bounds = array<i64: 5>, scalar_prefetch = 0 : i64, scratch_operands = 0 : i64, tpu.core_type = #tpu.core_type<tc>, window_params = [{transform_indices = @transform_0, window_bounds = array<i64: 2000, 256>}, {transform_indices = @transform_1, window_bounds = array<i64: 2, 2000, 128>}, {transform_indices = @transform_2, window_bounds = array<i64: 2, 2000, 128>}, {pipeline_mode = #tpu.pipeline_mode<synchronous>, transform_indices = @transform_3, window_bounds = array<i64: 256, 512>}, {pipeline_mode = #tpu.pipeline_mode<synchronous>, transform_indices = @transform_4, window_bounds = array<i64: 256, 256>}, {pipeline_mode = #tpu.pipeline_mode<synchronous>, transform_indices = @transform_5, window_bounds = array<i64: 256, 256>}, {pipeline_mode = #tpu.pipeline_mode<synchronous>, transform_indices = @transform_6, window_bounds = array<i64: 1, 256>}, {pipeline_mode = #tpu.pipeline_mode<synchronous>, transform_indices = @transform_7, window_bounds = array<i64: 1, 256>}, {pipeline_mode = #tpu.pipeline_mode<synchronous>, transform_indices = @transform_8, window_bounds = array<i64: 1, 256>}, {transform_indices = @transform_9, window_bounds = array<i64: 2000, 256>}]} {
    %get3A = arith.constant 0 : index
    %get3A_0 = arith.constant 0 : index
    %get3A_1 = arith.constant 0 : index
    %get3A_2 = vector.load %arg3[%get3A, %get3A_0, %get3A_1] : memref<2x2000x128xf32, #tpu.memory_space<vmem>>, vector<1x2000x1xf32>
    %get3A_3 = vector.shape_cast %get3A_2 : vector<1x2000x1xf32> to vector<2000x1xf32>
    %get3A_4 = arith.constant 1 : index
    %get3A_5 = arith.constant 0 : index
    %get3A_6 = arith.constant 0 : index
    %get3A_7 = vector.load %arg3[%get3A_4, %get3A_5, %get3A_6] : memref<2x2000x128xf32, #tpu.memory_space<vmem>>, vector<1x2000x1xf32>
    %get3A_8 = vector.shape_cast %get3A_7 : vector<1x2000x1xf32> to vector<2000x1xf32>
    %add3A = arith.addf %get3A_3, %get3A_8 : vector<2000x1xf32>
    %max3A = arith.constant 1.000000e+00 : f32
    %max3A_9 = vector.broadcast %max3A : f32 to vector<2000x1xf32>
    %max3A_10 = arith.maximumf %add3A, %max3A_9 : vector<2000x1xf32>
    %div3A = arith.constant 1.000000e+00 : f32
    %div3A_11 = vector.broadcast %div3A : f32 to vector<2000x1xf32>
    %div3A_12 = arith.divf %div3A_11, %max3A_10 : vector<2000x1xf32>
    %get3A_13 = arith.constant 0 : index
    %get3A_14 = arith.constant 0 : index
    %get3A_15 = vector.load %arg1[%get3A_13, %get3A_14] : memref<2000x256xf32, #tpu.memory_space<vmem>>, vector<2000x256xf32>
    %get3A_16 = arith.constant 0 : index
    %get3A_17 = arith.constant 0 : index
    %get3A_18 = vector.load %arg4[%get3A_16, %get3A_17] : memref<256x512xf32, #tpu.memory_space<vmem>>, vector<256x256xf32>
    %dot_general3A = arith.constant dense<0.000000e+00> : vector<2000x256xf32>
    %dot_general3A_19 = tpu.matmul %get3A_15, %get3A_18, %dot_general3A {dimension_numbers = #tpu.dot_dimension_numbers<[1], [1], [0], [0], [0, 0, 1, 0], [], []>, transpose_lhs_hint = false} : vector<2000x256xf32>, vector<256x256xf32>, vector<2000x256xf32> -> vector<2000x256xf32>
    %get3A_20 = arith.constant 0 : index
    %get3A_21 = arith.constant 0 : index
    %get3A_22 = arith.constant 0 : index
    %get3A_23 = vector.load %arg2[%get3A_20, %get3A_21, %get3A_22] : memref<2x2000x128xf32, #tpu.memory_space<vmem>>, vector<1x2000x128xf32>
    %get3A_24 = vector.shape_cast %get3A_23 : vector<1x2000x128xf32> to vector<2000x128xf32>
    %mul3A = vector.broadcast %div3A_12 : vector<2000x1xf32> to vector<2000x128xf32>
    %mul3A_25 = arith.mulf %get3A_24, %mul3A : vector<2000x128xf32>
    %get3A_26 = arith.constant 0 : index
    %get3A_27 = arith.constant 256 : index
    %get3A_28 = vector.load %arg4[%get3A_26, %get3A_27] : memref<256x512xf32, #tpu.memory_space<vmem>>, vector<256x128xf32>
    %dot_general3A_29 = arith.constant dense<0.000000e+00> : vector<2000x256xf32>
    %dot_general3A_30 = tpu.matmul %mul3A_25, %get3A_28, %dot_general3A_29 {dimension_numbers = #tpu.dot_dimension_numbers<[1], [1], [0], [0], [0, 0, 1, 0], [], []>, transpose_lhs_hint = false} : vector<2000x128xf32>, vector<256x128xf32>, vector<2000x256xf32> -> vector<2000x256xf32>
    %add3A_31 = arith.addf %dot_general3A_19, %dot_general3A_30 : vector<2000x256xf32>
    %get3A_32 = arith.constant 1 : index
    %get3A_33 = arith.constant 0 : index
    %get3A_34 = arith.constant 0 : index
    %get3A_35 = vector.load %arg2[%get3A_32, %get3A_33, %get3A_34] : memref<2x2000x128xf32, #tpu.memory_space<vmem>>, vector<1x2000x128xf32>
    %get3A_36 = vector.shape_cast %get3A_35 : vector<1x2000x128xf32> to vector<2000x128xf32>
    %mul3A_37 = vector.broadcast %div3A_12 : vector<2000x1xf32> to vector<2000x128xf32>
    %mul3A_38 = arith.mulf %get3A_36, %mul3A_37 : vector<2000x128xf32>
    %get3A_39 = arith.constant 0 : index
    %get3A_40 = arith.constant 384 : index
    %get3A_41 = vector.load %arg4[%get3A_39, %get3A_40] : memref<256x512xf32, #tpu.memory_space<vmem>>, vector<256x128xf32>
    %dot_general3A_42 = arith.constant dense<0.000000e+00> : vector<2000x256xf32>
    %dot_general3A_43 = tpu.matmul %mul3A_38, %get3A_41, %dot_general3A_42 {dimension_numbers = #tpu.dot_dimension_numbers<[1], [1], [0], [0], [0, 0, 1, 0], [], []>, transpose_lhs_hint = false} : vector<2000x128xf32>, vector<256x128xf32>, vector<2000x256xf32> -> vector<2000x256xf32>
    %add3A_44 = arith.addf %add3A_31, %dot_general3A_43 : vector<2000x256xf32>
    %get3A_45 = arith.constant 0 : index
    %get3A_46 = arith.constant 0 : index
    %get3A_47 = vector.load %arg7[%get3A_45, %get3A_46] : memref<1x256xf32, #tpu.memory_space<vmem>>, vector<1x256xf32>
    %add3A_48 = vector.broadcast %get3A_47 : vector<1x256xf32> to vector<2000x256xf32>
    %add3A_49 = arith.addf %add3A_44, %add3A_48 : vector<2000x256xf32>
    %logistic3A = arith.negf %add3A_49 : vector<2000x256xf32>
    %logistic3A_50 = math.exp %logistic3A : vector<2000x256xf32>
    %logistic3A_51 = arith.constant 1.000000e+00 : f32
    %logistic3A_52 = vector.broadcast %logistic3A_51 : f32 to vector<2000x256xf32>
    %logistic3A_53 = arith.addf %logistic3A_52, %logistic3A_50 : vector<2000x256xf32>
    %logistic3A_54 = arith.divf %logistic3A_52, %logistic3A_53 : vector<2000x256xf32>
    %mul3A_55 = arith.mulf %add3A_49, %logistic3A_54 : vector<2000x256xf32>
    %get3A_56 = arith.constant 0 : index
    %get3A_57 = arith.constant 0 : index
    %get3A_58 = vector.load %arg5[%get3A_56, %get3A_57] : memref<256x256xf32, #tpu.memory_space<vmem>>, vector<256x256xf32>
    %dot_general3A_59 = arith.constant dense<0.000000e+00> : vector<2000x256xf32>
    %dot_general3A_60 = tpu.matmul %mul3A_55, %get3A_58, %dot_general3A_59 {dimension_numbers = #tpu.dot_dimension_numbers<[1], [1], [0], [0], [0, 0, 1, 0], [], []>, transpose_lhs_hint = false} : vector<2000x256xf32>, vector<256x256xf32>, vector<2000x256xf32> -> vector<2000x256xf32>
    %get3A_61 = arith.constant 0 : index
    %get3A_62 = arith.constant 0 : index
    %get3A_63 = vector.load %arg8[%get3A_61, %get3A_62] : memref<1x256xf32, #tpu.memory_space<vmem>>, vector<1x256xf32>
    %add3A_64 = vector.broadcast %get3A_63 : vector<1x256xf32> to vector<2000x256xf32>
    %add3A_65 = arith.addf %dot_general3A_60, %add3A_64 : vector<2000x256xf32>
    %logistic3A_66 = arith.negf %add3A_65 : vector<2000x256xf32>
    %logistic3A_67 = math.exp %logistic3A_66 : vector<2000x256xf32>
    %logistic3A_68 = arith.constant 1.000000e+00 : f32
    %logistic3A_69 = vector.broadcast %logistic3A_68 : f32 to vector<2000x256xf32>
    %logistic3A_70 = arith.addf %logistic3A_69, %logistic3A_67 : vector<2000x256xf32>
    %logistic3A_71 = arith.divf %logistic3A_69, %logistic3A_70 : vector<2000x256xf32>
    %mul3A_72 = arith.mulf %add3A_65, %logistic3A_71 : vector<2000x256xf32>
    %get3A_73 = arith.constant 0 : index
    %get3A_74 = arith.constant 0 : index
    %get3A_75 = vector.load %arg6[%get3A_73, %get3A_74] : memref<256x256xf32, #tpu.memory_space<vmem>>, vector<256x256xf32>
    %dot_general3A_76 = arith.constant dense<0.000000e+00> : vector<2000x256xf32>
    %dot_general3A_77 = tpu.matmul %mul3A_72, %get3A_75, %dot_general3A_76 {dimension_numbers = #tpu.dot_dimension_numbers<[1], [1], [0], [0], [0, 0, 1, 0], [], []>, transpose_lhs_hint = false} : vector<2000x256xf32>, vector<256x256xf32>, vector<2000x256xf32> -> vector<2000x256xf32>
    %get3A_78 = arith.constant 0 : index
    %get3A_79 = arith.constant 0 : index
    %get3A_80 = vector.load %arg9[%get3A_78, %get3A_79] : memref<1x256xf32, #tpu.memory_space<vmem>>, vector<1x256xf32>
    %add3A_81 = vector.broadcast %get3A_80 : vector<1x256xf32> to vector<2000x256xf32>
    %add3A_82 = arith.addf %dot_general3A_77, %add3A_81 : vector<2000x256xf32>
    %swap3A = arith.constant 0 : index
    %swap3A_83 = arith.constant 0 : index
    %swap3A_84 = vector.load %arg10[%swap3A, %swap3A_83] : memref<2000x256xf32, #tpu.memory_space<vmem>>, vector<2000x256xf32>
    tpu.vector_store %arg10[%swap3A, %swap3A_83], %add3A_82 {strides = array<i32>} : memref<2000x256xf32, #tpu.memory_space<vmem>>, vector<2000x256xf32>,
    return
  }
  func.func @transform_0(%arg0: i32) -> (i32, i32) {
    %c0_i32 = arith.constant 0 : i32
    %c0_i32_0 = arith.constant 0 : i32
    return %arg0, %c0_i32 : i32, i32
  }
  func.func @transform_1(%arg0: i32) -> (i32, i32, i32) {
    %c0_i32 = arith.constant 0 : i32
    %c0_i32_0 = arith.constant 0 : i32
    %c0_i32_1 = arith.constant 0 : i32
    return %c0_i32, %arg0, %c0_i32_0 : i32, i32, i32
  }
  func.func @transform_2(%arg0: i32) -> (i32, i32, i32) {
    %c0_i32 = arith.constant 0 : i32
    %c0_i32_0 = arith.constant 0 : i32
    %c0_i32_1 = arith.constant 0 : i32
    return %c0_i32, %arg0, %c0_i32_0 : i32, i32, i32
  }
  func.func @transform_3(%arg0: i32) -> (i32, i32) {
    %c0_i32 = arith.constant 0 : i32
    %c0_i32_0 = arith.constant 0 : i32
    %c0_i32_1 = arith.constant 0 : i32
    return %c0_i32, %c0_i32_0 : i32, i32
  }
  func.func @transform_4(%arg0: i32) -> (i32, i32) {
    %c0_i32 = arith.constant 0 : i32
    %c0_i32_0 = arith.constant 0 : i32
    %c0_i32_1 = arith.constant 0 : i32
    return %c0_i32, %c0_i32_0 : i32, i32
  }
  func.func @transform_5(%arg0: i32) -> (i32, i32) {
    %c0_i32 = arith.constant 0 : i32
    %c0_i32_0 = arith.constant 0 : i32
    %c0_i32_1 = arith.constant 0 : i32
    return %c0_i32, %c0_i32_0 : i32, i32
  }
  func.func @transform_6(%arg0: i32) -> (i32, i32) {
    %c0_i32 = arith.constant 0 : i32
    %c0_i32_0 = arith.constant 0 : i32
    %c0_i32_1 = arith.constant 0 : i32
    return %c0_i32, %c0_i32_0 : i32, i32
  }
  func.func @transform_7(%arg0: i32) -> (i32, i32) {
    %c0_i32 = arith.constant 0 : i32
    %c0_i32_0 = arith.constant 0 : i32
    %c0_i32_1 = arith.constant 0 : i32
    return %c0_i32, %c0_i32_0 : i32, i32
  }
  func.func @transform_8(%arg0: i32) -> (i32, i32) {
    %c0_i32 = arith.constant 0 : i32
    %c0_i32_0 = arith.constant 0 : i32
    %c0_i32_1 = arith.constant 0 : i32
    return %c0_i32, %c0_i32_0 : i32, i32
  }
  func.func @transform_9(%arg0: i32) -> (i32, i32) {
    %c0_i32 = arith.constant 0 : i32
    %c0_i32_0 = arith.constant 0 : i32
    return %arg0, %c0_i32 : i32, i32
  }
}

</mosaic_0001>

<sc_bundles>
// kernel: kernel.4.cloned.1.call-start
scs
__scs_entry_jumppad:
0x0: {  	(pc) =	sbr.rel $0x88, $3  }
0x1: {  	(tag) =	ssettag $0x0;
	lr =	simm.s32 $0x1  }
0x2: {  	[smem:$0x3F98] =	sst lr;
	_ =	strace $0xD0000000  }
0x3: {  	_ = 	snop  }
0x4: {  	_ = 	snop  }
0x5: {  	_ = 	snop  }
0x6: {  	_ = 	snop  }
0x7: {  	_ = 	snop  }
__scs_overlays_trampoline_lowered:
0x8: {  	[smem:$0x3FA7] =	sst s0  }
0x9: {  	[smem:$0x3FA8] =	sst s1  }
0xa: {  	[smem:$0x3FA9] =	sst s2  }
0xb: {  	[smem:$0x3FAA] =	sst s3  }
0xc: {  	[smem:$0x3FAB] =	sst s4  }
0xd: {  	[smem:$0x3FAC] =	sst s5  }
0xe: {  	[smem:$0x3FAD] =	sst s6  }
0xf: {  	[smem:$0x3FAE] =	sst s7  }
0x10: {  	[smem:$0x3FAF] =	sst s8  }
0x11: {  	[smem:$0x3FB0] =	sst s9;
	s0 =	simm.s32 @!p0 $0x0  }
0x12: {  	s1 =	sld [smem:$0x3F96];
	s0 =	simm.s32 @p0 $0x1  }
0x13: {  	[smem:$0x3FB1] =	sst s0;
	s0 =	simm.s32 @!p1 $0x0  }
0x14: {  	s2 =	sld [smem:$0x3F95];
	s0 =	simm.s32 @p1 $0x1  }
0x15: {  	[smem:$0x3FB2] =	sst s0;
	s0 =	simm.s32 @!p2 $0x0  }
0x16: {  	s3 =	sld [smem:$0x3FDB];
	s0 =	simm.s32 @p2 $0x1  }
0x17: {  	s4 =	simm.s32 $0x1BF5;
	[smem:$0x3FB4] =	sst s0  }
0x18: {  	s0 =	sld [smem:$0x3F97];
	_ =	swait.ge [sflag:s4], $0x0  }
0x19: {  	s7 =	sld [smem:$0x3F98]  }
0x1a: {  	s8 =	sadd.s32 $0xFFFFE003, lr  }
0x1b: {  	s9 =	sadd.s32 $0xFFFFFEF7, lr;
	s5 =	simm.s32 $0xFFFFFFFF;
	p2 =	slt.u32 s8, $0xFFFFF086  }
0x1c: {  	p1 =	slt.u32 s9, $0xF7A;
	s5 =	simm.s32 @!p2 $0x0  }
0x1d: {  	s5 =	simm.s32 @p1 $0x1;
	p0 =	seq.s32 s7, s2  }
0x1e: {  	s7 =	smul.u32 @!p0 $0xF7A, s2;
	p2 =	seq.s32 @!p0 s5, $0x0  }
0x1f: {  	s9 =	smul.u32 $0xF7A, s1;
	s8 =	simm.s32 @!p0 $0x1BF5;
	p2 =	por !p2, p0  }
0x20: {  	[sflag:s8] =	ssyncset.s32 @!p0 $0xFFFFF086;
	s6 =	sadd.s32 @!p0 s3, s7;
	s7 =	simm.s32 @!p0 $0x108  }
0x21: {  	s3 =	sadd.s32 s3, s9;
	s6 =	sadd.s32 @!p0 $0x88, s6;
	s7 =	simm.s32 @p2 $0x1082  }
0x22: {  	[simem:s7], [sflag:s8] =	dma.local @!p0 [hbm:s6], $0xF7A  }
0x23: {  	s9 =	sor.u32 $0xD0000000, s2;
	s6 =	simm.s32 $0x108;
	_ =	swait.ge @!p0 [sflag:s8], $0x0  }
0x24: {  	s3 =	sadd.s32 $0x88, s3;
	s6 =	simm.s32 @!p1 $0x1082;
	[sflag:s4] =	ssyncset.s32 $0xFFFFF086  }
0x25: {  	[simem:s6], [sflag:s4] =	dma.local [hbm:s3], $0xF7A  }
0x26: {  	[smem:$0x3F98] =	sst s1;
	(tag) =	ssettag s2;
	_ =	strace s9  }
0x27: {  	s1 =	sld [smem:$0x3FA8]  }
0x28: {  	s2 =	sld [smem:$0x3FA9]  }
0x29: {  	s4 =	sld [smem:$0x3FAB]  }
0x2a: {  	p0 =	seq.s32 s5, $0x0;
	s5 =	sld [smem:$0x3FAC]  }
0x2b: {  	s6 =	sld [smem:$0x3FAD]  }
0x2c: {  	s7 =	sld [smem:$0x3FAE]  }
0x2d: {  	s3 =	simm.s32 $0x108;
	s8 =	sld [smem:$0x3FAF]  }
0x2e: {  	s3 =	simm.s32 @!p0 $0x1082;
	s9 =	sld [smem:$0x3FB0]  }
0x2f: {  	lr =	sadd.s32 s0, s3;
	s0 =	sld [smem:$0x3FA7]  }
0x30: {  	s3 =	sld [smem:$0x3FAA]  }
0x31: {  	[smem:$0x3FB3] =	sst s10  }
0x32: {  	s10 =	sld [smem:$0x3FB1];
	_ =	sdelay $0x3  }
0x33: {  	p0 =	seq.s32 s10, $0x1;
	s10 =	sld [smem:$0x3FB3];
	_ =	sdelay $0x3  }
0x34: {  	[smem:$0x3FB3] =	sst s10  }
0x35: {  	s10 =	sld [smem:$0x3FB2];
	_ =	sdelay $0x3  }
0x36: {  	p1 =	seq.s32 s10, $0x1;
	s10 =	sld [smem:$0x3FB3];
	_ =	sdelay $0x3  }
0x37: {  	[smem:$0x3FB3] =	sst s10  }
0x38: {  	s10 =	sld [smem:$0x3FB4]  }
0x39: {  	_ = 	snop;
	(pc) =	sbr.ind lr, $3  }
0x3a: {  	_ = 	snop  }
0x3b: {  	_ = 	snop  }
0x3c: {  	p2 =	seq.s32 s10, $0x1;
	s10 =	sld [smem:$0x3FB3]  }
0x3d: {  	_ =	shalt  }
0x3e: {  	_ =	shalt  }
0x3f: {  	_ =	shalt  }
0x40: {  	_ =	shalt  }
0x41: {  	_ =	shalt  }
0x42: {  	_ =	shalt  }
0x43: {  	_ =	shalt  }
0x44: {  	_ =	shalt  }
0x45: {  	_ =	shalt  }
0x46: {  	_ =	shalt  }
0x47: {  	_ =	shalt  }
0x48: {  	_ =	shalt  }
0x49: {  	_ =	shalt  }
0x4a: {  	_ =	shalt  }
0x4b: {  	_ =	shalt  }
0x4c: {  	_ =	shalt  }
0x4d: {  	_ =	shalt  }
0x4e: {  	_ =	shalt  }
0x4f: {  	_ =	shalt  }
0x50: {  	_ =	shalt  }
0x51: {  	_ =	shalt  }
0x52: {  	_ =	shalt  }
0x53: {  	_ =	shalt  }
0x54: {  	_ =	shalt  }
0x55: {  	_ =	shalt  }
0x56: {  	_ =	shalt  }
0x57: {  	_ =	shalt  }
0x58: {  	_ =	shalt  }
0x59: {  	_ =	shalt  }
0x5a: {  	_ =	shalt  }
0x5b: {  	_ =	shalt  }
0x5c: {  	_ =	shalt  }
0x5d: {  	_ =	shalt  }
0x5e: {  	_ =	shalt  }
0x5f: {  	_ =	shalt  }
0x60: {  	_ =	shalt  }
0x61: {  	_ =	shalt  }
0x62: {  	_ =	shalt  }
0x63: {  	_ =	shalt  }
0x64: {  	_ =	shalt  }
0x65: {  	_ =	shalt  }
0x66: {  	_ =	shalt  }
0x67: {  	_ =	shalt  }
0x68: {  	_ =	shalt  }
0x69: {  	_ =	shalt  }
0x6a: {  	_ =	shalt  }
0x6b: {  	_ =	shalt  }
0x6c: {  	_ =	shalt  }
0x6d: {  	_ =	shalt  }
0x6e: {  	_ =	shalt  }
0x6f: {  	_ =	shalt  }
0x70: {  	_ =	shalt  }
0x71: {  	_ =	shalt  }
0x72: {  	_ =	shalt  }
0x73: {  	_ =	shalt  }
0x74: {  	_ =	shalt  }
0x75: {  	_ =	shalt  }
0x76: {  	_ =	shalt  }
0x77: {  	_ =	shalt  }
0x78: {  	_ =	shalt  }
0x79: {  	_ =	shalt  }
0x7a: {  	_ =	shalt  }
0x7b: {  	_ =	shalt  }
0x7c: {  	_ =	shalt  }
0x7d: {  	_ =	shalt  }
0x7e: {  	_ =	shalt  }
0x7f: {  	_ =	shalt  }
0x80: {  	_ =	shalt  }
0x81: {  	_ =	shalt  }
0x82: {  	_ =	shalt  }
0x83: {  	_ =	shalt  }
0x84: {  	_ =	shalt  }
0x85: {  	_ =	shalt  }
0x86: {  	_ =	shalt  }
0x87: {  	_ =	shalt  }
.Lfunc_end0:
.L_simem_size_0:
called_computation_lowered:
.L_overlay_start_0:
0x88: {  	s2 =	sld [smem:$0x3FD9]  }
0x89: {  	s3 =	sld [smem:$0x3FFE];
	_ =	sdelay $0x1  }
0x8a: {  	s1 =	srdreg.scid  }
0x8b: {  	s0 =	sand.u32 $0x1, s1  }
0x8c: {  	s17 =	sshll.u32 s0, $0xA;
	s2 =	sadd.s32 s3, s2  }
0x8d: {  	s2 =	sadd.s32 s2, s17  }
0x8e: {  	[smem:$0x3FBF] =	sst s2  }
0x8f: {  	_ = 	snop  }
0x90: {  	s2 =	sld [smem:$0x3FC8]  }
0x91: {  	s18 =	sld [smem:$0x3FD0];
	(tm) =	ssettm $0x1  }
0x92: {  	s4 =	sld [smem:$0x3FFB];
	_ =	sdelay $0x3  }
0x93: {  	_ =	strace s4  }
0x94: {  	s4 =	sld [smem:$0x3FFC];
	_ =	sdelay $0x3  }
0x95: {  	_ =	strace s4  }
0x96: {  	s4 =	sld [smem:$0x3FFD];
	_ =	sdelay $0x3  }
0x97: {  	_ =	strace s4  }
0x98: {  	_ =	strace $0x8FFFFFFF  }
0x99: {  	s19 =	sld [smem:$0x3FDB];
	_ =	sdelay $0x1  }
0x9a: {  	s5 =	simm.s32 $_scs_section_size  }
0x9b: {  	s6 =	simm.s32 $_size__tile_overlayer_lowered;
	s7 =	simm.s32 $_tile_overlayer_lowered  }
0x9c: {  	s22 =	simm.s32 $0x1BFF;
	s21 =	sshll.u32 s7, $0x1;
	s4 =	sadd.s32 s5, s19  }
0x9d: {  	s8 =	simm.s32 $0x0;
	s20 =	sshll.u32 s6, $0x1;
	s6 =	sadd.s32 s21, s4  }
0x9e: {  	[timem:s8], [sflag:s22] =	dma.local [hbm:s6], s20  }
0x9f: {  	_ =	swait.ge [sflag:s22], s20  }
0xa0: {  	s5 =	ssub.s32 $0x0, s20;
	[sflag:s22] =	ssyncset.done $0x0  }
0xa1: {  	[sflag:s22] =	ssyncadd.s32 s5;
	_ =	sdelay $0x1  }
0xa2: {  	s23 =	simm.s32 $0x1B8B  }
0xa3: {  	_ =	swait.ge [sflag:s23], $0x1  }
0xa4: {  	[sflag:s23] =	ssyncset.done $0x0  }
0xa5: {  	s25 =	simm.s32 $0x1B8E;
	s24 =	sld [smem:$0x3FFE];
	[sflag:s23] =	ssyncadd.s32 $0xFFFFFFFF  }
0xa6: {  	s26 =	simm.s32 $execute0_lowered;
	[smem:$0x3FD2] =	sst s25  }
0xa7: {  	s6 =	sshll.u32 s26, $0x1;
	_ =	strace $0x80000046;
	[dreg:$0x1] =	wrdreg $0xFFFFFFFF  }
0xa8: {  	s28 =	simm.s32 $_size_execute0_lowered;
	s4 =	sadd.s32 s4, s6;
	[dreg:$0x0] =	wrdreg $0x0  }
0xa9: {  	s6 =	sshll.u32 s28, $0x1;
	[dreg:$0x2] =	wrdreg s4  }
0xaa: {  	[dreg:$0x3] =	wrdreg s6  }
0xab: {  	[dreg:$0x4] =	wrdreg $0xC0  }
0xac: {  	_ =	task [dreg:s8], $0x5FFFF  }
0xad: {  	[dreg:$0x1] =	wrdreg $0xFFFFFFFF  }
0xae: {  	[dreg:$0x0] =	wrdreg $0x60  }
0xaf: {  	[dreg:$0x2] =	wrdreg s2  }
0xb0: {  	[dreg:$0x3] =	wrdreg s24  }
0xb1: {  	[dreg:$0x4] =	wrdreg s18  }
0xb2: {  	[dreg:$0x5] =	wrdreg $0x41000  }
0xb3: {  	[dreg:$0x6] =	wrdreg $0x9  }
0xb4: {  	_ =	task.clear_ibuf [dreg:s8], $0x7FFFF;
	_ =	strace $0x90000046  }
0xb5: {  	s29 =	simm.s32 $0x9;
	_ =	strace $0x80000048  }
0xb6: {  	_ =	swait.ge [sflag:s29], $0x1  }
0xb7: {  	[sflag:s29] =	ssyncadd.s32 $0xFFFFFFFF  }
0xb8: {  	_ =	strace $0x90000048  }
0xb9: {  	_ =	sfence  }
0xba: {  	s30 =	sld [smem:$0x0];
	_ =	sdelay $0x2  }
0xbb: {  	s31 =	sshll.u32 s1, $0xD;
	s1 =	sshrl.u32 s1, $0x2  }
0xbc: {  	s3 =	sand.u32 $0x4000, s31;
	s1 =	sadd.s32 s1, s30  }
0xbd: {  	s0 =	sor.u32 s3, s0;
	s1 =	sshll.u32 s1, $0x11  }
0xbe: {  	s0 =	sor.u32 s1, s0  }
0xbf: {  	s0 =	sadd.s32 $0x8F2B, s0  }
0xc0: {  	[sflag:s0] =	ssyncadd.remote.s32 $0x1  }
0xc1: {  	_ =	sfence.sel $0xFFFF  }
0xc2: {  	[dreg:$0x0] =	wrdreg $0xFFFFFFFF;
	(pc) =	sbr.abs _section_cstart, $3  }
0xc3: {  	[dreg:$0x1] =	wrdreg $0xFFFFFFFF  }
0xc4: {  	_ =	task.clear_ibuf [dreg:s8], $0x2FFFF;
	_ =	strace $0x9FFFFFFF  }
0xc5: {  	(tm) =	ssettm $0x7FFFFFFF  }
tec
execute0_lowered:
.L_overlay_start_1:
0x0: {  	(tag) =	ssettag $0x1  }
0x1: {  	s0 =	rddreg [dreg:$0x0]  }
0x2: {  	s3 =	rddreg [dreg:$0x1]  }
0x3: {  	s4 =	rddreg [dreg:$0x2]  }
0x4: {  	s1 =	rddreg [dreg:$0x3];
	s2 =	simm.s32 $0x0  }
0x5: {  	s5 =	srdreg.scid;
	s24 =	stileid.u32;
	s29 =	simm.s32 $0x100  }
0x6: {  	s30 =	simm.s32 $0x2;
	s31 =	simm.s32 $0x80;
	[smem:$0x7FF] =	sst s2  }
0x7: {  	s14 =	sand.u32 $0x1, s5;
	s6 =	sadd.s32 $0x4E4A00, s3;
	s8 =	smul.u32 $0x14000, s24  }
0x8: {  	s13 =	sadd.s32 $0x534A00, s3;
	s19 =	smul.u32 $0x50000, s24;
	p0 =	slt.u32 s24, $0x2  }
0x9: {  	_ =	strace $0x80000047;
	s5 =	ssub.s32 $0x2, s14;
	s16 =	smul.u32 $0x140000, s14  }
0xa: {  	s9 =	smul.u32 $0x27100, s14;
	s7 =	sshrl.u32 s5, $0x1;
	s21 =	sadd.s32 $0x4000, s8  }
0xb: {  	s22 =	sadd.s32 $0x8000, s8;
	s25 =	sadd.s32 $0xC000, s8;
	s26 =	sadd.s32 $0x10000, s8  }
0xc: {  	s15 =	ssub.s32 s5, s7;
	s7 =	sshll.u32 s24, $0x7;
	s8 =	sadd.s32 s8, s16  }
0xd: {  	s10 =	sadd.s32 s16, s21;
	s17 =	sadd.s32 s16, s22;
	s23 =	sadd.s32 s16, s25  }
0xe: {  	s5 =	sadd.s32 s16, s26;
	s21 =	sadd.s32 s21, s1;
	s22 =	sadd.s32 s22, s1  }
0xf: {  	s25 =	sadd.s32 s25, s1;
	s26 =	sadd.s32 s26, s1;
	s11 =	sshrl.u32 s8, $0x3  }
0x10: {  	s10 =	sshrl.u32 s10, $0x3;
	s20 =	sshrl.u32 s17, $0x3;
	s16 =	sshrl.u32 s23, $0x3  }
0x11: {  	s5 =	sshrl.u32 s5, $0x3;
	s17 =	sadd.s32 s7, s9;
	s23 =	sshrl.u32 s19, $0x2  }
0x12: {  	s19 =	sadd.s32 $0x4E4200, s3;
	s28 =	smax.u32 s15, $0x1;
	s12 =	sadd.s32 s6, s11  }
0x13: {  	s18 =	sadd.s32 s6, s10;
	s8 =	sadd.s32 s6, s20;
	s7 =	sadd.s32 s6, s16  }
0x14: {  	s9 =	sadd.s32 s13, s11;
	s10 =	sadd.s32 s13, s10;
	[dreg:$0x5] =	wrdreg s12  }
0x15: {  	s11 =	sadd.s32 s13, s20;
	s20 =	sshll.u32 s14, $0x4;
	[dreg:$0x6] =	wrdreg s18  }
0x16: {  	[dreg:$0x7] =	wrdreg s8;
	s8 =	sadd.s32 s6, s5;
	s12 =	sadd.s32 s13, s16  }
0x17: {  	s13 =	sadd.s32 s13, s5;
	s16 =	sshrl.u32 s17, $0x3;
	s17 =	sshll.u32 s24, $0x4  }
0x18: {  	s18 =	sshll.u32 s24, $0x5;
	s5 =	sadd.s32 s16, s4;
	s6 =	sadd.s32 s17, s0  }
0x19: {  	s0 =	sadd.s32 s18, s0;
	s16 =	sadd.s32 $0x1A00, s3;
	s18 =	sadd.s32 $0x4E3A00, s3  }
0x1a: {  	s17 =	sadd.s32 s20, s0;
	s20 =	sadd.s32 s23, s1;
	s23 =	simm.s32 $0x4F  }
0x1b: {  	s23 =	simm.s32 @!p0 $0x4E;
	p0 =	seq.s32 s24, $0x0;
	s24 =	simm.s32 $0x28  }
0x1c: {  	s3 =	simm.s32 $0x0;
	s0 =	simm.s32 $0x1;
	s24 =	simm.s32 @!p0 $0x27  }
.LBB2_1:
0x1d: {  	[tilespmem:s29], [sflag:$0x2] =	stream.linear.gather [hbm4b:s18+s2], $0x4000, $0x38;
	[tilespmem:$0x18100] =	vst v63  }
0x1e: {  	_ =	swait.ge [sflag:s30], $0x4000  }
0x1f: {  	[sflag:s30] =	ssyncset.done $0x0  }
0x20: {  	[sflag:s30] =	ssyncadd.s32 $0xFFFFC000  }
0x21: {  	[spmem:s20] =	stream.linear.scatter [tilespmem:s29], [sflag:$0x2], $0x4000, $0x38;
	[tilespmem:$0x18100] =	vst v63  }
0x22: {  	_ =	swait.ge [sflag:s30], $0x4000  }
0x23: {  	[sflag:s30] =	ssyncset.done $0x0  }
0x24: {  	[sflag:s30] =	ssyncadd.s32 $0xFFFFC000  }
0x25: {  	[spmem:s21] =	stream.linear.scatter [tilespmem:s29], [sflag:$0x2], $0x4000, $0x38;
	[tilespmem:$0x18100] =	vst v63  }
0x26: {  	_ =	swait.ge [sflag:s30], $0x4000  }
0x27: {  	[sflag:s30] =	ssyncset.done $0x0  }
0x28: {  	[sflag:s30] =	ssyncadd.s32 $0xFFFFC000  }
0x29: {  	[spmem:s22] =	stream.linear.scatter [tilespmem:s29], [sflag:$0x2], $0x4000, $0x38;
	[tilespmem:$0x18100] =	vst v63  }
0x2a: {  	_ =	swait.ge [sflag:s30], $0x4000  }
0x2b: {  	[sflag:s30] =	ssyncset.done $0x0  }
0x2c: {  	[sflag:s30] =	ssyncadd.s32 $0xFFFFC000  }
0x2d: {  	[spmem:s25] =	stream.linear.scatter [tilespmem:s29], [sflag:$0x2], $0x4000, $0x38;
	[tilespmem:$0x18100] =	vst v63  }
0x2e: {  	_ =	swait.ge [sflag:s30], $0x4000  }
0x2f: {  	[sflag:s30] =	ssyncset.done $0x0  }
0x30: {  	[sflag:s30] =	ssyncadd.s32 $0xFFFFC000  }
0x31: {  	[spmem:s26] =	stream.linear.scatter [tilespmem:s29], [sflag:$0x2], $0x4000, $0x38;
	[tilespmem:$0x18100] =	vst v63  }
0x32: {  	_ =	swait.ge [sflag:s30], $0x4000  }
0x33: {  	[sflag:s30] =	ssyncset.done $0x0  }
0x34: {  	[sflag:s30] =	ssyncadd.s32 $0xFFFFC000  }
0x35: {  	[bflag:$0x0] =	sbarrier.arrive $0xFFFF  }
0x36: {  	[tilespmem:s2], [sflag:$0x2] =	stream.linear.gather [hbm4b:s6+s2], $0x80, $0x38;
	[tilespmem:$0x18100] =	vst v63  }
0x37: {  	_ =	swait.ge [sflag:s30], $0x80  }
0x38: {  	[sflag:s30] =	ssyncset.done $0x0  }
0x39: {  	[sflag:s30] =	ssyncadd.s32 $0xFFFFFF80  }
0x3a: {  	[tilespmem:s31], [sflag:$0x2] =	stream.linear.gather [hbm4b:s5+s2], $0x80, $0x38;
	[tilespmem:$0x18100] =	vst v63  }
0x3b: {  	_ =	swait.ge [sflag:s30], $0x80  }
0x3c: {  	[sflag:s30] =	ssyncset.done $0x0  }
0x3d: {  	[sflag:s30] =	ssyncadd.s32 $0xFFFFFF80  }
0x3e: {  	[tilespmem:s29], [sflag:$0x1] =	stream.indirect.gather [hbm4b:s16+s31], $0x80, s31, s31, $0xb8;
	[tilespmem:$0x18100] =	vst v63  }
0x3f: {  	p0 =	sne.s32 s23, $0x1;
	_ =	swait.ge [sflag:s0], $0x4000  }
.Ltmp0:
0x40: {  	[sflag:s0] =	ssyncset.done $0x0;
	(pc) =	sbr.rel @!p0 .LBB2_3-.Ltmp0, $4  }
0x41: {  	[sflag:s0] =	ssyncadd.s32 $0xFFFFC000  }
0x42: {  	[spmem:s1] =	stream.indirect.scatter.add.f32 [tilespmem:s29], [sflag:$0x2], $0x80, s2, s31, $0xb8;
	[tilespmem:$0x18100] =	vst v63  }
0x43: {  	s4 =	sadd.s32 $0xFFFFFFFF, s23;
	_ =	swait.ge [sflag:s30], $0x4000  }
0x44: {  	s14 =	smov.u32 s5;
	s15 =	smov.u32 s6;
	[sflag:s30] =	ssyncset.done $0x0  }
.LBB2_2:
0x45: {  	[sflag:s30] =	ssyncadd.s32 $0xFFFFC000;
	s14 =	sadd.s32 $0x100, s14;
	s15 =	sadd.s32 $0x100, s15  }
0x46: {  	[tilespmem:s2], [sflag:$0x2] =	stream.linear.gather [hbm4b:s15+s2], $0x80, $0x38;
	[tilespmem:$0x18100] =	vst v63  }
0x47: {  	p0 =	sne.s32 s4, $0x1;
	s4 =	sadd.s32 $0xFFFFFFFF, s4;
	_ =	swait.ge [sflag:s30], $0x80  }
0x48: {  	[sflag:s30] =	ssyncset.done $0x0  }
0x49: {  	[sflag:s30] =	ssyncadd.s32 $0xFFFFFF80  }
0x4a: {  	[tilespmem:s31], [sflag:$0x2] =	stream.linear.gather [hbm4b:s14+s2], $0x80, $0x38;
	[tilespmem:$0x18100] =	vst v63  }
0x4b: {  	_ =	swait.ge [sflag:s30], $0x80  }
0x4c: {  	[sflag:s30] =	ssyncset.done $0x0  }
0x4d: {  	[sflag:s30] =	ssyncadd.s32 $0xFFFFFF80  }
0x4e: {  	[tilespmem:s29], [sflag:$0x1] =	stream.indirect.gather [hbm4b:s16+s31], $0x80, s31, s31, $0xb8;
	[tilespmem:$0x18100] =	vst v63  }
0x4f: {  	_ =	swait.ge [sflag:s0], $0x4000  }
.Ltmp1:
0x50: {  	[sflag:s0] =	ssyncset.done $0x0;
	(pc) =	sbr.rel @p0 .LBB2_2-.Ltmp1, $4  }
0x51: {  	[sflag:s0] =	ssyncadd.s32 $0xFFFFC000  }
0x52: {  	[spmem:s1] =	stream.indirect.scatter.add.f32 [tilespmem:s29], [sflag:$0x2], $0x80, s2, s31, $0xb8;
	[tilespmem:$0x18100] =	vst v63  }
0x53: {  	_ =	swait.ge [sflag:s30], $0x4000  }
0x54: {  	[sflag:s30] =	ssyncset.done $0x0  }
.LBB2_3:
0x55: {  	[sflag:s30] =	ssyncadd.s32 $0xFFFFC000  }
0x56: {  	[bflag:$0x0] =	sbarrier.arrive $0xFFFF  }
0x57: {  	[tilespmem:s29], [sflag:$0x2] =	stream.linear.gather [spmem:s20], $0x4000, $0x38;
	[tilespmem:$0x18100] =	vst v63  }
0x58: {  	_ =	swait.ge [sflag:s30], $0x4000  }
0x59: {  	[sflag:s30] =	ssyncset.done $0x0  }
0x5a: {  	s4 =	rddreg [dreg:$0x5];
	[sflag:s30] =	ssyncadd.s32 $0xFFFFC000  }
0x5b: {  	[hbm4b:s4+s2] =	stream.linear.scatter [tilespmem:s29], [sflag:$0x2], $0x4000, $0x38;
	[tilespmem:$0x18100] =	vst v63  }
0x5c: {  	_ =	swait.ge [sflag:s30], $0x4000  }
0x5d: {  	[sflag:s30] =	ssyncset.done $0x0  }
0x5e: {  	[sflag:s30] =	ssyncadd.s32 $0xFFFFC000  }
0x5f: {  	[tilespmem:s29], [sflag:$0x2] =	stream.linear.gather [spmem:s21], $0x4000, $0x38;
	[tilespmem:$0x18100] =	vst v63  }
0x60: {  	_ =	swait.ge [sflag:s30], $0x4000  }
0x61: {  	[sflag:s30] =	ssyncset.done $0x0  }
0x62: {  	s14 =	rddreg [dreg:$0x6];
	[sflag:s30] =	ssyncadd.s32 $0xFFFFC000  }
0x63: {  	[hbm4b:s14+s2] =	stream.linear.scatter [tilespmem:s29], [sflag:$0x2], $0x4000, $0x38;
	[tilespmem:$0x18100] =	vst v63  }
0x64: {  	_ =	swait.ge [sflag:s30], $0x4000  }
0x65: {  	[sflag:s30] =	ssyncset.done $0x0  }
0x66: {  	[sflag:s30] =	ssyncadd.s32 $0xFFFFC000  }
0x67: {  	[tilespmem:s29], [sflag:$0x2] =	stream.linear.gather [spmem:s22], $0x4000, $0x38;
	[tilespmem:$0x18100] =	vst v63  }
0x68: {  	_ =	swait.ge [sflag:s30], $0x4000  }
0x69: {  	[sflag:s30] =	ssyncset.done $0x0  }
0x6a: {  	s15 =	rddreg [dreg:$0x7];
	[sflag:s30] =	ssyncadd.s32 $0xFFFFC000  }
0x6b: {  	[hbm4b:s15+s2] =	stream.linear.scatter [tilespmem:s29], [sflag:$0x2], $0x4000, $0x38;
	[tilespmem:$0x18100] =	vst v63  }
0x6c: {  	_ =	swait.ge [sflag:s30], $0x4000  }
0x6d: {  	[sflag:s30] =	ssyncset.done $0x0  }
0x6e: {  	[sflag:s30] =	ssyncadd.s32 $0xFFFFC000  }
0x6f: {  	[tilespmem:s29], [sflag:$0x2] =	stream.linear.gather [spmem:s25], $0x4000, $0x38;
	[tilespmem:$0x18100] =	vst v63  }
0x70: {  	_ =	swait.ge [sflag:s30], $0x4000  }
0x71: {  	[sflag:s30] =	ssyncset.done $0x0  }
0x72: {  	[sflag:s30] =	ssyncadd.s32 $0xFFFFC000  }
0x73: {  	[hbm4b:s7+s2] =	stream.linear.scatter [tilespmem:s29], [sflag:$0x2], $0x4000, $0x38;
	[tilespmem:$0x18100] =	vst v63  }
0x74: {  	_ =	swait.ge [sflag:s30], $0x4000  }
0x75: {  	[sflag:s30] =	ssyncset.done $0x0  }
0x76: {  	[sflag:s30] =	ssyncadd.s32 $0xFFFFC000  }
0x77: {  	[tilespmem:s29], [sflag:$0x2] =	stream.linear.gather [spmem:s26], $0x4000, $0x38;
	[tilespmem:$0x18100] =	vst v63  }
0x78: {  	_ =	swait.ge [sflag:s30], $0x4000  }
0x79: {  	[sflag:s30] =	ssyncset.done $0x0  }
0x7a: {  	[sflag:s30] =	ssyncadd.s32 $0xFFFFC000  }
0x7b: {  	[hbm4b:s8+s2] =	stream.linear.scatter [tilespmem:s29], [sflag:$0x2], $0x4000, $0x38;
	[tilespmem:$0x18100] =	vst v63  }
0x7c: {  	_ =	swait.ge [sflag:s30], $0x4000  }
0x7d: {  	[sflag:s30] =	ssyncset.done $0x0  }
0x7e: {  	[sflag:s30] =	ssyncadd.s32 $0xFFFFC000  }
0x7f: {  	[tilespmem:s29], [sflag:$0x2] =	stream.linear.gather [hbm4b:s18+s2], $0x4000, $0x38;
	[tilespmem:$0x18100] =	vst v63  }
0x80: {  	_ =	swait.ge [sflag:s30], $0x4000  }
0x81: {  	[sflag:s30] =	ssyncset.done $0x0  }
0x82: {  	[sflag:s30] =	ssyncadd.s32 $0xFFFFC000  }
0x83: {  	[spmem:s20] =	stream.linear.scatter [tilespmem:s29], [sflag:$0x2], $0x4000, $0x38;
	[tilespmem:$0x18100] =	vst v63  }
0x84: {  	_ =	swait.ge [sflag:s30], $0x4000  }
0x85: {  	[sflag:s30] =	ssyncset.done $0x0  }
0x86: {  	[sflag:s30] =	ssyncadd.s32 $0xFFFFC000  }
0x87: {  	[spmem:s21] =	stream.linear.scatter [tilespmem:s29], [sflag:$0x2], $0x4000, $0x38;
	[tilespmem:$0x18100] =	vst v63  }
0x88: {  	_ =	swait.ge [sflag:s30], $0x4000  }
0x89: {  	[sflag:s30] =	ssyncset.done $0x0  }
0x8a: {  	[sflag:s30] =	ssyncadd.s32 $0xFFFFC000  }
0x8b: {  	[spmem:s22] =	stream.linear.scatter [tilespmem:s29], [sflag:$0x2], $0x4000, $0x38;
	[tilespmem:$0x18100] =	vst v63  }
0x8c: {  	_ =	swait.ge [sflag:s30], $0x4000  }
0x8d: {  	[sflag:s30] =	ssyncset.done $0x0  }
0x8e: {  	[sflag:s30] =	ssyncadd.s32 $0xFFFFC000  }
0x8f: {  	[spmem:s25] =	stream.linear.scatter [tilespmem:s29], [sflag:$0x2], $0x4000, $0x38;
	[tilespmem:$0x18100] =	vst v63  }
0x90: {  	_ =	swait.ge [sflag:s30], $0x4000  }
0x91: {  	[sflag:s30] =	ssyncset.done $0x0  }
0x92: {  	[sflag:s30] =	ssyncadd.s32 $0xFFFFC000  }
0x93: {  	[spmem:s26] =	stream.linear.scatter [tilespmem:s29], [sflag:$0x2], $0x4000, $0x38;
	[tilespmem:$0x18100] =	vst v63  }
0x94: {  	_ =	swait.ge [sflag:s30], $0x4000  }
0x95: {  	[sflag:s30] =	ssyncset.done $0x0  }
0x96: {  	[sflag:s30] =	ssyncadd.s32 $0xFFFFC000  }
0x97: {  	[tilespmem:s29], [sflag:$0x2] =	stream.linear.gather [hbm4b:s19+s2], $0x4000, $0x38;
	[tilespmem:$0x18100] =	vst v63  }
0x98: {  	_ =	swait.ge [sflag:s30], $0x4000  }
0x99: {  	[sflag:s30] =	ssyncset.done $0x0  }
0x9a: {  	[sflag:s30] =	ssyncadd.s32 $0xFFFFC000  }
0x9b: {  	[bflag:$0x0] =	sbarrier.arrive $0xFFFF  }
0x9c: {  	[tilespmem:s2], [sflag:$0x2] =	stream.linear.gather [hbm4b:s17+s2], $0x80, $0x38;
	[tilespmem:$0x18100] =	vst v63  }
0x9d: {  	p0 =	sne.s32 s24, $0x1;
	_ =	swait.ge [sflag:s30], $0x80  }
.Ltmp2:
0x9e: {  	[sflag:s30] =	ssyncset.done $0x0;
	(pc) =	sbr.rel @!p0 .LBB2_5-.Ltmp2, $4  }
0x9f: {  	[sflag:s30] =	ssyncadd.s32 $0xFFFFFF80  }
0xa0: {  	[spmem:s1] =	stream.indirect.scatter.add.f32 [tilespmem:s29], [sflag:$0x2], $0x80, s2, s31, $0xb8;
	[tilespmem:$0x18100] =	vst v63  }
0xa1: {  	_ =	swait.ge [sflag:s30], $0x4000  }
0xa2: {  	s4 =	sadd.s32 $0xFFFFFFFF, s24;
	s14 =	smov.u32 s17;
	[sflag:s30] =	ssyncset.done $0x0  }
.LBB2_4:
0xa3: {  	p0 =	sne.s32 s4, $0x1;
	[sflag:s30] =	ssyncadd.s32 $0xFFFFC000;
	s14 =	sadd.s32 $0x200, s14  }
0xa4: {  	[tilespmem:s2], [sflag:$0x2] =	stream.linear.gather [hbm4b:s14+s2], $0x80, $0x38;
	[tilespmem:$0x18100] =	vst v63  }
0xa5: {  	s4 =	sadd.s32 $0xFFFFFFFF, s4;
	_ =	swait.ge [sflag:s30], $0x80  }
.Ltmp3:
0xa6: {  	[sflag:s30] =	ssyncset.done $0x0;
	(pc) =	sbr.rel @p0 .LBB2_4-.Ltmp3, $4  }
0xa7: {  	[sflag:s30] =	ssyncadd.s32 $0xFFFFFF80  }
0xa8: {  	[spmem:s1] =	stream.indirect.scatter.add.f32 [tilespmem:s29], [sflag:$0x2], $0x80, s2, s31, $0xb8;
	[tilespmem:$0x18100] =	vst v63  }
0xa9: {  	_ =	swait.ge [sflag:s30], $0x4000  }
0xaa: {  	[sflag:s30] =	ssyncset.done $0x0  }
.LBB2_5:
0xab: {  	[sflag:s30] =	ssyncadd.s32 $0xFFFFC000  }
0xac: {  	[bflag:$0x0] =	sbarrier.arrive $0xFFFF  }
0xad: {  	[tilespmem:s29], [sflag:$0x2] =	stream.linear.gather [spmem:s20], $0x4000, $0x38;
	[tilespmem:$0x18100] =	vst v63  }
0xae: {  	_ =	swait.ge [sflag:s30], $0x4000  }
0xaf: {  	[sflag:s30] =	ssyncset.done $0x0  }
0xb0: {  	[sflag:s30] =	ssyncadd.s32 $0xFFFFC000  }
0xb1: {  	[hbm4b:s9+s2] =	stream.linear.scatter [tilespmem:s29], [sflag:$0x2], $0x4000, $0x38;
	[tilespmem:$0x18100] =	vst v63  }
0xb2: {  	_ =	swait.ge [sflag:s30], $0x4000  }
0xb3: {  	[sflag:s30] =	ssyncset.done $0x0  }
0xb4: {  	[sflag:s30] =	ssyncadd.s32 $0xFFFFC000  }
0xb5: {  	[tilespmem:s29], [sflag:$0x2] =	stream.linear.gather [spmem:s21], $0x4000, $0x38;
	[tilespmem:$0x18100] =	vst v63  }
0xb6: {  	_ =	swait.ge [sflag:s30], $0x4000  }
0xb7: {  	[sflag:s30] =	ssyncset.done $0x0  }
0xb8: {  	[sflag:s30] =	ssyncadd.s32 $0xFFFFC000  }
0xb9: {  	[hbm4b:s10+s2] =	stream.linear.scatter [tilespmem:s29], [sflag:$0x2], $0x4000, $0x38;
	[tilespmem:$0x18100] =	vst v63  }
0xba: {  	_ =	swait.ge [sflag:s30], $0x4000  }
0xbb: {  	[sflag:s30] =	ssyncset.done $0x0  }
0xbc: {  	[sflag:s30] =	ssyncadd.s32 $0xFFFFC000  }
0xbd: {  	[tilespmem:s29], [sflag:$0x2] =	stream.linear.gather [spmem:s22], $0x4000, $0x38;
	[tilespmem:$0x18100] =	vst v63  }
0xbe: {  	_ =	swait.ge [sflag:s30], $0x4000  }
0xbf: {  	[sflag:s30] =	ssyncset.done $0x0  }
0xc0: {  	[sflag:s30] =	ssyncadd.s32 $0xFFFFC000  }
0xc1: {  	[hbm4b:s11+s2] =	stream.linear.scatter [tilespmem:s29], [sflag:$0x2], $0x4000, $0x38;
	[tilespmem:$0x18100] =	vst v63  }
0xc2: {  	_ =	swait.ge [sflag:s30], $0x4000  }
0xc3: {  	[sflag:s30] =	ssyncset.done $0x0  }
0xc4: {  	[sflag:s30] =	ssyncadd.s32 $0xFFFFC000  }
0xc5: {  	[tilespmem:s29], [sflag:$0x2] =	stream.linear.gather [spmem:s25], $0x4000, $0x38;
	[tilespmem:$0x18100] =	vst v63  }
0xc6: {  	_ =	swait.ge [sflag:s30], $0x4000  }
0xc7: {  	[sflag:s30] =	ssyncset.done $0x0  }
0xc8: {  	[sflag:s30] =	ssyncadd.s32 $0xFFFFC000  }
0xc9: {  	[hbm4b:s12+s2] =	stream.linear.scatter [tilespmem:s29], [sflag:$0x2], $0x4000, $0x38;
	[tilespmem:$0x18100] =	vst v63  }
0xca: {  	_ =	swait.ge [sflag:s30], $0x4000  }
0xcb: {  	[sflag:s30] =	ssyncset.done $0x0  }
0xcc: {  	[sflag:s30] =	ssyncadd.s32 $0xFFFFC000  }
0xcd: {  	[tilespmem:s29], [sflag:$0x2] =	stream.linear.gather [spmem:s26], $0x4000, $0x38;
	[tilespmem:$0x18100] =	vst v63  }
0xce: {  	s3 =	sadd.s32 $0x1, s3;
	_ =	swait.ge [sflag:s30], $0x4000  }
0xcf: {  	p0 =	sne.s32 s3, s28;
	[sflag:s30] =	ssyncset.done $0x0  }
.Ltmp4:
0xd0: {  	[sflag:s30] =	ssyncadd.s32 $0xFFFFC000;
	(pc) =	sbr.rel @p0 .LBB2_1-.Ltmp4, $4  }
0xd1: {  	[hbm4b:s13+s2] =	stream.linear.scatter [tilespmem:s29], [sflag:$0x2], $0x4000, $0x38;
	[tilespmem:$0x18100] =	vst v63  }
0xd2: {  	_ =	swait.ge [sflag:s30], $0x4000  }
0xd3: {  	[sflag:s30] =	ssyncset.done $0x0  }
0xd4: {  	[sflag:s30] =	ssyncadd.s32 $0xFFFFC000  }
0xd5: {  	_ =	sfence.sel $0x180000  }
0xd6: {  	[bflag:$0x0] =	sbarrier.arrive $0xFFFF  }
0xd7: {  	_ =	strace $0x90000047  }
0xd8: {  	s0 =	stileid.u32;
	[bflag:$0x2] =	sbarrier.arrive $0xFFFF  }
0xd9: {  	p0 =	sne.s32 s0, $0x0;
	s0 =	rddreg [dreg:$0x4]  }
0xda: {  	s0 =	sadd.s32 @!p0 $0x100000, s0  }
0xdb: {  	[sflag:s0] =	ssyncadd.tile.s32 @!p0 $0x1;
	_ =	shalt  }
.Lfunc_end2:
_tile_overlayer_lowered:
.L_overlay_start_2:
0xdc: {  	(tag) =	ssettag $0x2  }
0xdd: {  	s0 =	rddreg [dreg:$0x0];
	s2 =	stileid.u32  }
0xde: {  	s1 =	rddreg [dreg:$0x1];
	p0 =	sne.s32 s2, $0x0  }
0xdf: {  	s3 =	rddreg [dreg:$0x2];
	[bflag:$0x3] =	sbarrier.arrive $0xFFFF;
	s2 =	simm.s32 @!p0 $0x1C02  }
0xe0: {  	[timem:s3], [sflag:s2] =	dma.local @!p0 [hbm:s0], s1  }
0xe1: {  	s0 =	simm.s32 @!p0 $0x2  }
0xe2: {  	_ =	swait.ge @!p0 [sflag:s0], s1  }
0xe3: {  	s1 =	ssub.s32 @!p0 $0x0, s1;
	[sflag:s0] =	ssyncset.done @!p0 $0x0  }
0xe4: {  	[sflag:s0] =	ssyncadd.s32 @!p0 s1  }
0xe5: {  	[bflag:$0x3] =	sbarrier.arrive $0xFFFF  }
0xe6: {  	_ =	shalt  }

</sc_bundles>
